<compile_context>
chip_gen: v7x
topology: tpu7x:2x2x1
jax: 0.10.2.dev20260603
libtpu: 0.0.44.dev20260713+nightly
codegen_flags: <defaults>
</compile_context>

<pallas_src>
import functools

import jax
import jax.numpy as jnp
from jax import lax
from jax.experimental import pallas as pl
from jax.experimental.pallas import tpu as pltpu
from jax.experimental.pallas import tpu_sc as plsc

NUM_ITEMS = 1000000
EMBED = 32
CTX = 32
B = 4096
L_ITEM = 20
L_CTX = 200

NC = 2
NS = 16
NW = NC * NS
BPW = B // NW
CB = 8
N_CCHUNK = BPW // CB
CROWS = CB * L_CTX
IROWS_PER_W = BPW * L_ITEM
ICHUNK = 512
N_ICHUNK = IROWS_PER_W // ICHUNK

_SELU_ALPHA = 1.6732632423543772
_SELU_SCALE = 1.0507009873554805


def _sc_body(item_idx_hbm, ctx_idx_hbm, item_tab_hbm, set_tab_hbm,
             summed_hbm, irows_out_hbm,
             cidx_v, crows_v, acc_v, iidx_v, irows_v, sem):
    c = lax.axis_index("c")
    s = lax.axis_index("s")
    w = s * NC + c
    cbase = w * (BPW * L_CTX)
    ibase = w * IROWS_PER_W

    pltpu.sync_copy(item_idx_hbm.at[pl.ds(pl.multiple_of(ibase, 8), IROWS_PER_W)],
                    iidx_v)

    def item_chunk(k, _):
        off = pl.multiple_of(ibase + k * ICHUNK, 8)
        pltpu.async_copy(item_tab_hbm.at[iidx_v.at[pl.ds(k * ICHUNK, ICHUNK)]],
                         irows_v, sem).wait()
        pltpu.sync_copy(irows_v, irows_out_hbm.at[pl.ds(off, ICHUNK)])
        return 0

    lax.fori_loop(0, N_ICHUNK, item_chunk, 0)

    def ctx_chunk(g, _):
        goff = pl.multiple_of(cbase + g * CROWS, 8)
        pltpu.sync_copy(ctx_idx_hbm.at[pl.ds(goff, CROWS)], cidx_v)
        pltpu.async_copy(set_tab_hbm.at[cidx_v], crows_v, sem).wait()
        for r in range(CB):
            z = jnp.zeros((16,), jnp.float32)

            def body(j, carry, r=r):
                a0, a1 = carry
                row = r * L_CTX + j
                a0 = a0 + crows_v[row, pl.ds(0, 16)]
                a1 = a1 + crows_v[row, pl.ds(16, 16)]
                return (a0, a1)

            a0, a1 = plsc.parallel_loop(0, L_CTX, unroll=8, carry=(z, z))(body)
            acc_v[g * CB + r, pl.ds(0, 16)] = a0
            acc_v[g * CB + r, pl.ds(16, 16)] = a1
        return 0

    lax.fori_loop(0, N_CCHUNK, ctx_chunk, 0)

    pltpu.sync_copy(acc_v, summed_hbm.at[pl.ds(pl.multiple_of(w * BPW, 8), BPW)])


def _sc_gather_pool(item_idx, ctx_idx, item_table, set_table):
    mesh = plsc.VectorSubcoreMesh(core_axis_name="c", subcore_axis_name="s")
    return pl.kernel(
        _sc_body,
        out_type=[
            jax.ShapeDtypeStruct((B, EMBED), jnp.float32),
            jax.ShapeDtypeStruct((B * L_ITEM, EMBED), jnp.float32),
        ],
        mesh=mesh,
        scratch_types=[
            pltpu.VMEM((CROWS,), jnp.int32),
            pltpu.VMEM((CROWS, EMBED), jnp.float32),
            pltpu.VMEM((BPW, EMBED), jnp.float32),
            pltpu.VMEM((IROWS_PER_W,), jnp.int32),
            pltpu.VMEM((ICHUNK, EMBED), jnp.float32),
            pltpu.SemaphoreType.DMA,
        ],
        compiler_params=pltpu.CompilerParams(use_tc_tiling_on_sc=False),
    )(item_idx, ctx_idx, item_table, set_table)


def _selu(x):
    return _SELU_SCALE * jnp.where(x > 0, x, _SELU_ALPHA * (jnp.exp(x) - 1.0))


def _tc_body(summed_ref, ctx_idx_ref, st0_ref, irows_ref,
             W1_ref, b1_ref, W2_ref, b2_ref, W3_ref, b3_ref, out_ref):
    summed = summed_ref[...]
    idx = ctx_idx_ref[...]
    zcnt = jnp.sum(jnp.where(idx == 0, 1.0, 0.0).astype(jnp.float32),
                   axis=1, keepdims=True)
    s = summed - zcnt * st0_ref[...]
    sq = jnp.sum(s * s, axis=-1, keepdims=True)
    n = s * lax.rsqrt(jnp.maximum(sq, 1e-4))
    h = _selu(jnp.dot(n, W1_ref[...], preferred_element_type=jnp.float32)
              + b1_ref[...])
    h = _selu(jnp.dot(h, W2_ref[...], preferred_element_type=jnp.float32)
              + b2_ref[...])
    ce = (jnp.dot(h, W3_ref[...], preferred_element_type=jnp.float32)
          + b3_ref[...])
    items = irows_ref[...]
    cet = jnp.concatenate([ce] * L_ITEM, axis=1)
    d2 = (items - cet) * (items - cet)
    rows = lax.broadcasted_iota(jnp.int32, (L_ITEM * EMBED, L_ITEM), 0)
    cols = lax.broadcasted_iota(jnp.int32, (L_ITEM * EMBED, L_ITEM), 1)
    G = jnp.where(rows // EMBED == cols, 1.0, 0.0).astype(jnp.float32)
    d = jnp.dot(d2, G, preferred_element_type=jnp.float32)
    out_ref[...] = 1.0 / (1.0 + d)


def _tc_tail(summed, ctx_idx, st0, irows, W1, b1, W2, b2, W3, b3):
    BT = 256
    grid = (B // BT,)
    full = lambda shape: pl.BlockSpec(shape, lambda i: (0, 0))
    return pl.pallas_call(
        _tc_body,
        grid=grid,
        in_specs=[
            pl.BlockSpec((BT, EMBED), lambda i: (i, 0)),
            pl.BlockSpec((BT, L_CTX), lambda i: (i, 0)),
            full((1, EMBED)),
            pl.BlockSpec((BT, L_ITEM * EMBED), lambda i: (i, 0)),
            full((CTX, 2 * CTX)),
            full((1, 2 * CTX)),
            full((2 * CTX, 4 * CTX)),
            full((1, 4 * CTX)),
            full((4 * CTX, EMBED)),
            full((1, EMBED)),
        ],
        out_specs=pl.BlockSpec((BT, L_ITEM), lambda i: (i, 0)),
        out_shape=jax.ShapeDtypeStruct((B, L_ITEM), jnp.float32),
    )(summed, ctx_idx, st0, irows, W1, b1, W2, b2, W3, b3)


def kernel(item_indices, context_indices, item_table, set_table,
           W1, b1, W2, b2, W3, b3):
    ctx_i32 = context_indices.astype(jnp.int32)
    ctx_adj = jnp.maximum(ctx_i32 - 1, 0).reshape(-1)
    iidx = item_indices.astype(jnp.int32).reshape(-1)
    summed, irows = _sc_gather_pool(iidx, ctx_adj, item_table, set_table)
    out = _tc_tail(summed, ctx_i32, set_table[0:1],
                   irows.reshape(B, L_ITEM * EMBED),
                   W1, b1.reshape(1, -1), W2, b2.reshape(1, -1),
                   W3, b3.reshape(1, -1))
    return out

# --- scband reference (transcript-rebuilt; emitter-appended) ---
"""Pipeline reference for scband-contextual-rating-29429115912556 (READ-ONLY COPY).

The authoritative reference and input builder live on the scoring server;
editing this copy changes nothing except your own understanding.
"""

import jax, jax.numpy as jnp
import numpy as np

NUM_ITEMS = 1000000
EMBED = 32
CTX = 32
B = 4096
L_ITEM = 20
L_CTX = 200


def setup_inputs(seed: int = 0) -> dict:
    key = jax.random.key(seed)
    ks = jax.random.split(key, 12)
    item_indices = jax.random.randint(ks[0], (B, L_ITEM), 0, NUM_ITEMS, dtype=jnp.int64 if jax.config.jax_enable_x64 else jnp.int32)
    context_indices = jax.random.randint(ks[1], (B, L_CTX), 0, NUM_ITEMS, dtype=jnp.int64 if jax.config.jax_enable_x64 else jnp.int32)
    item_table = jax.random.normal(ks[2], (NUM_ITEMS, EMBED), dtype=jnp.float32) * 0.05
    set_table = jax.random.normal(ks[3], (NUM_ITEMS - 1, CTX), dtype=jnp.float32) * (1.0 / CTX / CTX)
    W1 = jax.random.normal(ks[4], (CTX, 2 * CTX), dtype=jnp.float32) * 0.1
    b1 = jnp.zeros((2 * CTX,), dtype=jnp.float32)
    W2 = jax.random.normal(ks[5], (2 * CTX, 4 * CTX), dtype=jnp.float32) * 0.1
    b2 = jnp.zeros((4 * CTX,), dtype=jnp.float32)
    W3 = jax.random.normal(ks[6], (4 * CTX, EMBED), dtype=jnp.float32) * 0.1
    b3 = jnp.zeros((EMBED,), dtype=jnp.float32)
    return {"item_indices": item_indices, "context_indices": context_indices,
            "item_table": item_table, "set_table": set_table,
            "W1": W1, "b1": b1, "W2": W2, "b2": b2, "W3": W3, "b3": b3}


def _set_embedding(context_indices, set_table, W1, b1, W2, b2, W3, b3):
    # SetEmbedding.call with training=False (dropouts are identity)
    emb_full = jnp.concatenate([jnp.zeros((1, CTX), dtype=set_table.dtype), set_table], axis=0)
    item_embeds = jnp.take(emb_full, context_indices, axis=0)  # [B, L_CTX, CTX]
    summed = jnp.sum(item_embeds, axis=1)  # [B, CTX]
    # tf.math.l2_normalize(x, epsilon=1e-4) = x / sqrt(max(sum(x^2), eps))
    sq = jnp.sum(summed * summed, axis=-1, keepdims=True)
    normalized = summed * jax.lax.rsqrt(jnp.maximum(sq, 1e-4))
    h = jax.nn.selu(normalized @ W1 + b1)
    h = jax.nn.selu(h @ W2 + b2)
    return h @ W3 + b3  # final_activation='linear'


def reference(item_indices, context_indices, item_table, set_table, W1, b1, W2, b2, W3, b3):
    # ContextualRating.call, non-hyperbolic, training=False
    item_embeds = jnp.take(item_table, item_indices, axis=0)  # [B, L_ITEM, EMBED]
    context_embeds = _set_embedding(context_indices, set_table, W1, b1, W2, b2, W3, b3)  # [B, EMBED]
    diff = item_embeds - context_embeds[:, None, :]
    distances = jnp.sum(diff * diff, axis=-1)  # [B, L_ITEM]
    # bounded_distance=True
    nonlinear_distances = 1.0 / (1.0 + distances)
    return nonlinear_distances

if __name__ == "__main__":
    import jax
    _d = setup_inputs()
    print(jax.jit(kernel)(*tuple(_d.values())))

</pallas_src>

<mosaic_0001>
#map = affine_map<(d0, d1) -> (0)>
#map1 = affine_map<(d0, d1) -> (0, 0)>
module attributes {stable_mosaic.version = 14 : i64} {
  func.func @_sc_body(%arg0: i32, %arg1: i32, %arg2: memref<81920xi32, #tpu.memory_space<hbm>>, %arg3: memref<819200xi32, #tpu.memory_space<hbm>>, %arg4: memref<1000000x32xf32, #tpu.memory_space<hbm>>, %arg5: memref<999999x32xf32, #tpu.memory_space<hbm>>, %arg6: memref<4096x32xf32, #tpu.memory_space<hbm>>, %arg7: memref<81920x32xf32, #tpu.memory_space<hbm>>, %arg8: memref<1600xi32, #tpu.memory_space<vmem>>, %arg9: memref<1600x32xf32, #tpu.memory_space<vmem>>, %arg10: memref<128x32xf32, #tpu.memory_space<vmem>>, %arg11: memref<2560xi32, #tpu.memory_space<vmem>>, %arg12: memref<512x32xf32, #tpu.memory_space<vmem>>, %arg13: memref<!tpu.dma_semaphore, #tpu.memory_space<semaphore_mem>>) attributes {dimension_semantics = [#tpu.dimension_semantics<core_parallel>, #tpu.dimension_semantics<subcore_parallel>], iteration_bounds = array<i64: 2, 16>, scalar_prefetch = 0 : i64, scratch_operands = 6 : i64, tpu.core_type = #tpu.core_type<sc_vector_subcore>, window_params = [{transform_indices = #map}, {transform_indices = #map}, {transform_indices = #map1}, {transform_indices = #map1}, {transform_indices = #map1}, {transform_indices = #map1}]} {
    %mul3A = arith.constant 2 : i32
    %mul3A_0 = arith.muli %arg1, %mul3A : i32
    %add3A = arith.addi %mul3A_0, %arg0 : i32
    %mul3A_1 = arith.constant 25600 : i32
    %mul3A_2 = arith.muli %add3A, %mul3A_1 : i32
    %mul3A_3 = arith.constant 2560 : i32
    %mul3A_4 = arith.muli %add3A, %mul3A_3 : i32
    %multiple_of3A = tpu.assume_multiple %mul3A_4, 8 : i32
    "tpu.region"() ({
      %run_scoped3A = tpu.sem_alloc : memref<!tpu.dma_semaphore, #tpu.memory_space<semaphore_mem>>
      %dma_start3A = tpu.memref_slice %arg2[%multiple_of3A] : memref<81920xi32, #tpu.memory_space<hbm>> -> memref<2560xi32, #tpu.memory_space<hbm>>
      %dma_start3A_21 = tpu.memref_slice %arg2[%multiple_of3A] : memref<81920xi32, #tpu.memory_space<hbm>> -> memref<2560xi32, #tpu.memory_space<hbm>>
      tpu.enqueue_dma source(%dma_start3A_21 : memref<2560xi32, #tpu.memory_space<hbm>>) target(%arg11 : memref<2560xi32, #tpu.memory_space<vmem>>) target_semaphore(%run_scoped3A : memref<!tpu.dma_semaphore, #tpu.memory_space<semaphore_mem>>)
      %dma_wait3A = tpu.memref_slice %arg2[%multiple_of3A] : memref<81920xi32, #tpu.memory_space<hbm>> -> memref<2560xi32, #tpu.memory_space<hbm>>
      %dma_wait3A_22 = tpu.memref_slice %arg2[%multiple_of3A] : memref<81920xi32, #tpu.memory_space<hbm>> -> memref<2560xi32, #tpu.memory_space<hbm>>
      tpu.wait_dma2 semaphore(%run_scoped3A : memref<!tpu.dma_semaphore, #tpu.memory_space<semaphore_mem>>) src(%dma_wait3A_22 : memref<2560xi32, #tpu.memory_space<hbm>>) dst(%arg11 : memref<2560xi32, #tpu.memory_space<vmem>>)
      tpu.yield
    }) : () -> ()
    %scan3A = arith.constant 0 : i32
    %scan3A_5 = arith.constant 0 : i32
    %scan3A_6 = arith.constant 5 : i32
    %scan3A_7 = arith.addi %scan3A_5, %scan3A_6 : i32
    %scan3A_8 = arith.constant 1 : i32
    %scan3A_9 = scf.for %scan3A_21 = %scan3A_5 to %scan3A_7 step %scan3A_8 iter_args(%scan3A_22 = %scan3A) -> (i32)  : i32 {
      %mul3A_23 = arith.constant 512 : i32
      %mul3A_24 = arith.muli %scan3A_21, %mul3A_23 : i32
      %add3A_25 = arith.addi %mul3A_4, %mul3A_24 : i32
      %multiple_of3A_26 = tpu.assume_multiple %add3A_25, 8 : i32
      %mul3A_27 = arith.constant 512 : i32
      %mul3A_28 = arith.muli %scan3A_21, %mul3A_27 : i32
      %dma_start3A = tpu.memref_slice %arg11[%mul3A_28] : memref<2560xi32, #tpu.memory_space<vmem>> -> memref<512xi32, #tpu.memory_space<vmem>>
      %dma_start3A_29 = arith.constant 0 : i32
      %dma_start3A_30 = arith.constant 0 : i32
      %dma_start3A_31 = tpu.memref_slice %arg4[%dma_start3A_29, %dma_start3A_30] : memref<1000000x32xf32, #tpu.memory_space<hbm>> -> memref<1000000x32xf32, #tpu.memory_space<hbm>>
      tpu.enqueue_indirect_dma source(%dma_start3A_31 : memref<1000000x32xf32, #tpu.memory_space<hbm>>) target(%arg12 : memref<512x32xf32, #tpu.memory_space<vmem>>) offsets(%dma_start3A : memref<512xi32, #tpu.memory_space<vmem>>) semaphore(%arg13 : memref<!tpu.dma_semaphore, #tpu.memory_space<semaphore_mem>>)
      %dma_wait3A = tpu.memref_slice %arg11[%mul3A_28] : memref<2560xi32, #tpu.memory_space<vmem>> -> memref<512xi32, #tpu.memory_space<vmem>>
      %dma_wait3A_32 = arith.constant 0 : i32
      %dma_wait3A_33 = arith.constant 0 : i32
      %dma_wait3A_34 = tpu.memref_slice %arg4[%dma_wait3A_32, %dma_wait3A_33] : memref<1000000x32xf32, #tpu.memory_space<hbm>> -> memref<1000000x32xf32, #tpu.memory_space<hbm>>
      tpu.wait_indirect_dma semaphore(%arg13 : memref<!tpu.dma_semaphore, #tpu.memory_space<semaphore_mem>>) src(%dma_wait3A_34 : memref<1000000x32xf32, #tpu.memory_space<hbm>>) dst(%arg12 : memref<512x32xf32, #tpu.memory_space<vmem>>)
      "tpu.region"() ({
        %run_scoped3A = tpu.sem_alloc : memref<!tpu.dma_semaphore, #tpu.memory_space<semaphore_mem>>
        %dma_start3A_36 = arith.constant 0 : i32
        %dma_start3A_37 = tpu.memref_slice %arg7[%multiple_of3A_26, %dma_start3A_36] : memref<81920x32xf32, #tpu.memory_space<hbm>> -> memref<512x32xf32, #tpu.memory_space<hbm>>
        %dma_start3A_38 = arith.constant 0 : i32
        %dma_start3A_39 = tpu.memref_slice %arg7[%multiple_of3A_26, %dma_start3A_38] : memref<81920x32xf32, #tpu.memory_space<hbm>> -> memref<512x32xf32, #tpu.memory_space<hbm>>
        tpu.enqueue_dma source(%arg12 : memref<512x32xf32, #tpu.memory_space<vmem>>) target(%dma_start3A_39 : memref<512x32xf32, #tpu.memory_space<hbm>>) target_semaphore(%run_scoped3A : memref<!tpu.dma_semaphore, #tpu.memory_space<semaphore_mem>>)
        %dma_wait3A_40 = arith.constant 0 : i32
        %dma_wait3A_41 = tpu.memref_slice %arg7[%multiple_of3A_26, %dma_wait3A_40] : memref<81920x32xf32, #tpu.memory_space<hbm>> -> memref<512x32xf32, #tpu.memory_space<hbm>>
        %dma_wait3A_42 = arith.constant 0 : i32
        %dma_wait3A_43 = tpu.memref_slice %arg7[%multiple_of3A_26, %dma_wait3A_42] : memref<81920x32xf32, #tpu.memory_space<hbm>> -> memref<512x32xf32, #tpu.memory_space<hbm>>
        tpu.wait_dma2 semaphore(%run_scoped3A : memref<!tpu.dma_semaphore, #tpu.memory_space<semaphore_mem>>) src(%arg12 : memref<512x32xf32, #tpu.memory_space<vmem>>) dst(%dma_wait3A_43 : memref<512x32xf32, #tpu.memory_space<hbm>>)
        tpu.yield
      }) : () -> ()
      %scan3A_35 = arith.constant 0 : i32
      scf.yield %scan3A_35 : i32
    }
    %scan3A_10 = arith.constant 5 : i32
    %scan3A_11 = arith.constant 0 : i32
    %scan3A_12 = arith.constant 0 : i32
    %scan3A_13 = arith.constant 16 : i32
    %scan3A_14 = arith.addi %scan3A_12, %scan3A_13 : i32
    %scan3A_15 = arith.constant 1 : i32
    %scan3A_16 = scf.for %scan3A_21 = %scan3A_12 to %scan3A_14 step %scan3A_15 iter_args(%scan3A_22 = %scan3A_11) -> (i32)  : i32 {
      %mul3A_23 = arith.constant 1600 : i32
      %mul3A_24 = arith.muli %scan3A_21, %mul3A_23 : i32
      %add3A_25 = arith.addi %mul3A_2, %mul3A_24 : i32
      %multiple_of3A_26 = tpu.assume_multiple %add3A_25, 8 : i32
      "tpu.region"() ({
        %run_scoped3A = tpu.sem_alloc : memref<!tpu.dma_semaphore, #tpu.memory_space<semaphore_mem>>
        %dma_start3A_221 = tpu.memref_slice %arg3[%multiple_of3A_26] : memref<819200xi32, #tpu.memory_space<hbm>> -> memref<1600xi32, #tpu.memory_space<hbm>>
        %dma_start3A_222 = tpu.memref_slice %arg3[%multiple_of3A_26] : memref<819200xi32, #tpu.memory_space<hbm>> -> memref<1600xi32, #tpu.memory_space<hbm>>
        tpu.enqueue_dma source(%dma_start3A_222 : memref<1600xi32, #tpu.memory_space<hbm>>) target(%arg8 : memref<1600xi32, #tpu.memory_space<vmem>>) target_semaphore(%run_scoped3A : memref<!tpu.dma_semaphore, #tpu.memory_space<semaphore_mem>>)
        %dma_wait3A_223 = tpu.memref_slice %arg3[%multiple_of3A_26] : memref<819200xi32, #tpu.memory_space<hbm>> -> memref<1600xi32, #tpu.memory_space<hbm>>
        %dma_wait3A_224 = tpu.memref_slice %arg3[%multiple_of3A_26] : memref<819200xi32, #tpu.memory_space<hbm>> -> memref<1600xi32, #tpu.memory_space<hbm>>
        tpu.wait_dma2 semaphore(%run_scoped3A : memref<!tpu.dma_semaphore, #tpu.memory_space<semaphore_mem>>) src(%dma_wait3A_224 : memref<1600xi32, #tpu.memory_space<hbm>>) dst(%arg8 : memref<1600xi32, #tpu.memory_space<vmem>>)
        tpu.yield
      }) : () -> ()
      %dma_start3A = arith.constant 0 : i32
      %dma_start3A_27 = arith.constant 0 : i32
      %dma_start3A_28 = tpu.memref_slice %arg5[%dma_start3A, %dma_start3A_27] : memref<999999x32xf32, #tpu.memory_space<hbm>> -> memref<999999x32xf32, #tpu.memory_space<hbm>>
      tpu.enqueue_indirect_dma source(%dma_start3A_28 : memref<999999x32xf32, #tpu.memory_space<hbm>>) target(%arg9 : memref<1600x32xf32, #tpu.memory_space<vmem>>) offsets(%arg8 : memref<1600xi32, #tpu.memory_space<vmem>>) semaphore(%arg13 : memref<!tpu.dma_semaphore, #tpu.memory_space<semaphore_mem>>)
      %dma_wait3A = arith.constant 0 : i32
      %dma_wait3A_29 = arith.constant 0 : i32
      %dma_wait3A_30 = tpu.memref_slice %arg5[%dma_wait3A, %dma_wait3A_29] : memref<999999x32xf32, #tpu.memory_space<hbm>> -> memref<999999x32xf32, #tpu.memory_space<hbm>>
      tpu.wait_indirect_dma semaphore(%arg13 : memref<!tpu.dma_semaphore, #tpu.memory_space<semaphore_mem>>) src(%dma_wait3A_30 : memref<999999x32xf32, #tpu.memory_space<hbm>>) dst(%arg9 : memref<1600x32xf32, #tpu.memory_space<vmem>>)
      %broadcast_in_dim3A = arith.constant 0.000000e+00 : f32
      %broadcast_in_dim3A_31 = vector.broadcast %broadcast_in_dim3A : f32 to vector<16xf32>
      %parallel_loop3A = arith.constant 0 : i32
      %parallel_loop3A_32 = arith.constant 200 : i32
      %parallel_loop3A_33 = arith.constant 1 : i32
      %parallel_loop3A_34:2 = scf.for %parallel_loop3A_221 = %parallel_loop3A to %parallel_loop3A_32 step %parallel_loop3A_33 iter_args(%parallel_loop3A_222 = %broadcast_in_dim3A_31, %parallel_loop3A_223 = %broadcast_in_dim3A_31) -> (vector<16xf32>, vector<16xf32>)  : i32 {
        %parallel_loop3A_224 = arith.constant 0 : i32
        %parallel_loop3A_225 = arith.addi %parallel_loop3A_224, %parallel_loop3A_221 : i32
        %parallel_loop3A_226 = arith.index_cast %parallel_loop3A_225 : i32 to index
        %parallel_loop3A_227 = arith.constant 0 : index
        %parallel_loop3A_228 = tpu.vector_load %arg9[%parallel_loop3A_226, %parallel_loop3A_227] {strides = array<i32>} : memref<1600x32xf32, #tpu.memory_space<vmem>>, vector<1x16xf32>,
        %parallel_loop3A_229 = vector.shape_cast %parallel_loop3A_228 : vector<1x16xf32> to vector<16xf32>
        %parallel_loop3A_230 = arith.addf %parallel_loop3A_222, %parallel_loop3A_229 : vector<16xf32>
        %parallel_loop3A_231 = arith.index_cast %parallel_loop3A_225 : i32 to index
        %parallel_loop3A_232 = arith.constant 16 : index
        %parallel_loop3A_233 = tpu.vector_load %arg9[%parallel_loop3A_231, %parallel_loop3A_232] {strides = array<i32>} : memref<1600x32xf32, #tpu.memory_space<vmem>>, vector<1x16xf32>,
        %parallel_loop3A_234 = vector.shape_cast %parallel_loop3A_233 : vector<1x16xf32> to vector<16xf32>
        %parallel_loop3A_235 = arith.addf %parallel_loop3A_223, %parallel_loop3A_234 : vector<16xf32>
        scf.yield %parallel_loop3A_230, %parallel_loop3A_235 : vector<16xf32>, vector<16xf32>
      } {sc.loop_unroll_factor = 8 : i64, sc.parallel_access}
      %mul3A_35 = arith.constant 8 : i32
      %mul3A_36 = arith.muli %scan3A_21, %mul3A_35 : i32
      %add3A_37 = arith.constant 0 : i32
      %add3A_38 = arith.addi %mul3A_36, %add3A_37 : i32
      %swap3A = arith.index_cast %add3A_38 : i32 to index
      %swap3A_39 = arith.constant 0 : index
      %swap3A_40 = tpu.vector_load %arg10[%swap3A, %swap3A_39] {strides = array<i32>} : memref<128x32xf32, #tpu.memory_space<vmem>>, vector<1x16xf32>,
      %swap3A_41 = vector.shape_cast %swap3A_40 : vector<1x16xf32> to vector<16xf32>
      %swap3A_42 = vector.shape_cast %parallel_loop3A_34#0 : vector<16xf32> to vector<1x16xf32>
      tpu.vector_store %arg10[%swap3A, %swap3A_39], %swap3A_42 {strides = array<i32>} : memref<128x32xf32, #tpu.memory_space<vmem>>, vector<1x16xf32>,
      %mul3A_43 = arith.constant 8 : i32
      %mul3A_44 = arith.muli %scan3A_21, %mul3A_43 : i32
      %add3A_45 = arith.constant 0 : i32
      %add3A_46 = arith.addi %mul3A_44, %add3A_45 : i32
      %swap3A_47 = arith.index_cast %add3A_46 : i32 to index
      %swap3A_48 = arith.constant 16 : index
      %swap3A_49 = tpu.vector_load %arg10[%swap3A_47, %swap3A_48] {strides = array<i32>} : memref<128x32xf32, #tpu.memory_space<vmem>>, vector<1x16xf32>,
      %swap3A_50 = vector.shape_cast %swap3A_49 : vector<1x16xf32> to vector<16xf32>
      %swap3A_51 = vector.shape_cast %parallel_loop3A_34#1 : vector<16xf32> to vector<1x16xf32>
      tpu.vector_store %arg10[%swap3A_47, %swap3A_48], %swap3A_51 {strides = array<i32>} : memref<128x32xf32, #tpu.memory_space<vmem>>, vector<1x16xf32>,
      %broadcast_in_dim3A_52 = arith.constant 0.000000e+00 : f32
      %broadcast_in_dim3A_53 = vector.broadcast %broadcast_in_dim3A_52 : f32 to vector<16xf32>
      %parallel_loop3A_54 = arith.constant 0 : i32
      %parallel_loop3A_55 = arith.constant 200 : i32
      %parallel_loop3A_56 = arith.constant 1 : i32
      %parallel_loop3A_57:2 = scf.for %parallel_loop3A_221 = %parallel_loop3A_54 to %parallel_loop3A_55 step %parallel_loop3A_56 iter_args(%parallel_loop3A_222 = %broadcast_in_dim3A_53, %parallel_loop3A_223 = %broadcast_in_dim3A_53) -> (vector<16xf32>, vector<16xf32>)  : i32 {
        %parallel_loop3A_224 = arith.constant 200 : i32
        %parallel_loop3A_225 = arith.addi %parallel_loop3A_224, %parallel_loop3A_221 : i32
        %parallel_loop3A_226 = arith.index_cast %parallel_loop3A_225 : i32 to index
        %parallel_loop3A_227 = arith.constant 0 : index
        %parallel_loop3A_228 = tpu.vector_load %arg9[%parallel_loop3A_226, %parallel_loop3A_227] {strides = array<i32>} : memref<1600x32xf32, #tpu.memory_space<vmem>>, vector<1x16xf32>,
        %parallel_loop3A_229 = vector.shape_cast %parallel_loop3A_228 : vector<1x16xf32> to vector<16xf32>
        %parallel_loop3A_230 = arith.addf %parallel_loop3A_222, %parallel_loop3A_229 : vector<16xf32>
        %parallel_loop3A_231 = arith.index_cast %parallel_loop3A_225 : i32 to index
        %parallel_loop3A_232 = arith.constant 16 : index
        %parallel_loop3A_233 = tpu.vector_load %arg9[%parallel_loop3A_231, %parallel_loop3A_232] {strides = array<i32>} : memref<1600x32xf32, #tpu.memory_space<vmem>>, vector<1x16xf32>,
        %parallel_loop3A_234 = vector.shape_cast %parallel_loop3A_233 : vector<1x16xf32> to vector<16xf32>
        %parallel_loop3A_235 = arith.addf %parallel_loop3A_223, %parallel_loop3A_234 : vector<16xf32>
        scf.yield %parallel_loop3A_230, %parallel_loop3A_235 : vector<16xf32>, vector<16xf32>
      } {sc.loop_unroll_factor = 8 : i64, sc.parallel_access}
      %mul3A_58 = arith.constant 8 : i32
      %mul3A_59 = arith.muli %scan3A_21, %mul3A_58 : i32
      %add3A_60 = arith.constant 1 : i32
      %add3A_61 = arith.addi %mul3A_59, %add3A_60 : i32
      %swap3A_62 = arith.index_cast %add3A_61 : i32 to index
      %swap3A_63 = arith.constant 0 : index
      %swap3A_64 = tpu.vector_load %arg10[%swap3A_62, %swap3A_63] {strides = array<i32>} : memref<128x32xf32, #tpu.memory_space<vmem>>, vector<1x16xf32>,
      %swap3A_65 = vector.shape_cast %swap3A_64 : vector<1x16xf32> to vector<16xf32>
      %swap3A_66 = vector.shape_cast %parallel_loop3A_57#0 : vector<16xf32> to vector<1x16xf32>
      tpu.vector_store %arg10[%swap3A_62, %swap3A_63], %swap3A_66 {strides = array<i32>} : memref<128x32xf32, #tpu.memory_space<vmem>>, vector<1x16xf32>,
      %mul3A_67 = arith.constant 8 : i32
      %mul3A_68 = arith.muli %scan3A_21, %mul3A_67 : i32
      %add3A_69 = arith.constant 1 : i32
      %add3A_70 = arith.addi %mul3A_68, %add3A_69 : i32
      %swap3A_71 = arith.index_cast %add3A_70 : i32 to index
      %swap3A_72 = arith.constant 16 : index
      %swap3A_73 = tpu.vector_load %arg10[%swap3A_71, %swap3A_72] {strides = array<i32>} : memref<128x32xf32, #tpu.memory_space<vmem>>, vector<1x16xf32>,
      %swap3A_74 = vector.shape_cast %swap3A_73 : vector<1x16xf32> to vector<16xf32>
      %swap3A_75 = vector.shape_cast %parallel_loop3A_57#1 : vector<16xf32> to vector<1x16xf32>
      tpu.vector_store %arg10[%swap3A_71, %swap3A_72], %swap3A_75 {strides = array<i32>} : memref<128x32xf32, #tpu.memory_space<vmem>>, vector<1x16xf32>,
      %broadcast_in_dim3A_76 = arith.constant 0.000000e+00 : f32
      %broadcast_in_dim3A_77 = vector.broadcast %broadcast_in_dim3A_76 : f32 to vector<16xf32>
      %parallel_loop3A_78 = arith.constant 0 : i32
      %parallel_loop3A_79 = arith.constant 200 : i32
      %parallel_loop3A_80 = arith.constant 1 : i32
      %parallel_loop3A_81:2 = scf.for %parallel_loop3A_221 = %parallel_loop3A_78 to %parallel_loop3A_79 step %parallel_loop3A_80 iter_args(%parallel_loop3A_222 = %broadcast_in_dim3A_77, %parallel_loop3A_223 = %broadcast_in_dim3A_77) -> (vector<16xf32>, vector<16xf32>)  : i32 {
        %parallel_loop3A_224 = arith.constant 400 : i32
        %parallel_loop3A_225 = arith.addi %parallel_loop3A_224, %parallel_loop3A_221 : i32
        %parallel_loop3A_226 = arith.index_cast %parallel_loop3A_225 : i32 to index
        %parallel_loop3A_227 = arith.constant 0 : index
        %parallel_loop3A_228 = tpu.vector_load %arg9[%parallel_loop3A_226, %parallel_loop3A_227] {strides = array<i32>} : memref<1600x32xf32, #tpu.memory_space<vmem>>, vector<1x16xf32>,
        %parallel_loop3A_229 = vector.shape_cast %parallel_loop3A_228 : vector<1x16xf32> to vector<16xf32>
        %parallel_loop3A_230 = arith.addf %parallel_loop3A_222, %parallel_loop3A_229 : vector<16xf32>
        %parallel_loop3A_231 = arith.index_cast %parallel_loop3A_225 : i32 to index
        %parallel_loop3A_232 = arith.constant 16 : index
        %parallel_loop3A_233 = tpu.vector_load %arg9[%parallel_loop3A_231, %parallel_loop3A_232] {strides = array<i32>} : memref<1600x32xf32, #tpu.memory_space<vmem>>, vector<1x16xf32>,
        %parallel_loop3A_234 = vector.shape_cast %parallel_loop3A_233 : vector<1x16xf32> to vector<16xf32>
        %parallel_loop3A_235 = arith.addf %parallel_loop3A_223, %parallel_loop3A_234 : vector<16xf32>
        scf.yield %parallel_loop3A_230, %parallel_loop3A_235 : vector<16xf32>, vector<16xf32>
      } {sc.loop_unroll_factor = 8 : i64, sc.parallel_access}
      %mul3A_82 = arith.constant 8 : i32
      %mul3A_83 = arith.muli %scan3A_21, %mul3A_82 : i32
      %add3A_84 = arith.constant 2 : i32
      %add3A_85 = arith.addi %mul3A_83, %add3A_84 : i32
      %swap3A_86 = arith.index_cast %add3A_85 : i32 to index
      %swap3A_87 = arith.constant 0 : index
      %swap3A_88 = tpu.vector_load %arg10[%swap3A_86, %swap3A_87] {strides = array<i32>} : memref<128x32xf32, #tpu.memory_space<vmem>>, vector<1x16xf32>,
      %swap3A_89 = vector.shape_cast %swap3A_88 : vector<1x16xf32> to vector<16xf32>
      %swap3A_90 = vector.shape_cast %parallel_loop3A_81#0 : vector<16xf32> to vector<1x16xf32>
      tpu.vector_store %arg10[%swap3A_86, %swap3A_87], %swap3A_90 {strides = array<i32>} : memref<128x32xf32, #tpu.memory_space<vmem>>, vector<1x16xf32>,
      %mul3A_91 = arith.constant 8 : i32
      %mul3A_92 = arith.muli %scan3A_21, %mul3A_91 : i32
      %add3A_93 = arith.constant 2 : i32
      %add3A_94 = arith.addi %mul3A_92, %add3A_93 : i32
      %swap3A_95 = arith.index_cast %add3A_94 : i32 to index
      %swap3A_96 = arith.constant 16 : index
      %swap3A_97 = tpu.vector_load %arg10[%swap3A_95, %swap3A_96] {strides = array<i32>} : memref<128x32xf32, #tpu.memory_space<vmem>>, vector<1x16xf32>,
      %swap3A_98 = vector.shape_cast %swap3A_97 : vector<1x16xf32> to vector<16xf32>
      %swap3A_99 = vector.shape_cast %parallel_loop3A_81#1 : vector<16xf32> to vector<1x16xf32>
      tpu.vector_store %arg10[%swap3A_95, %swap3A_96], %swap3A_99 {strides = array<i32>} : memref<128x32xf32, #tpu.memory_space<vmem>>, vector<1x16xf32>,
      %broadcast_in_dim3A_100 = arith.constant 0.000000e+00 : f32
      %broadcast_in_dim3A_101 = vector.broadcast %broadcast_in_dim3A_100 : f32 to vector<16xf32>
      %parallel_loop3A_102 = arith.constant 0 : i32
      %parallel_loop3A_103 = arith.constant 200 : i32
      %parallel_loop3A_104 = arith.constant 1 : i32
      %parallel_loop3A_105:2 = scf.for %parallel_loop3A_221 = %parallel_loop3A_102 to %parallel_loop3A_103 step %parallel_loop3A_104 iter_args(%parallel_loop3A_222 = %broadcast_in_dim3A_101, %parallel_loop3A_223 = %broadcast_in_dim3A_101) -> (vector<16xf32>, vector<16xf32>)  : i32 {
        %parallel_loop3A_224 = arith.constant 600 : i32
        %parallel_loop3A_225 = arith.addi %parallel_loop3A_224, %parallel_loop3A_221 : i32
        %parallel_loop3A_226 = arith.index_cast %parallel_loop3A_225 : i32 to index
        %parallel_loop3A_227 = arith.constant 0 : index
        %parallel_loop3A_228 = tpu.vector_load %arg9[%parallel_loop3A_226, %parallel_loop3A_227] {strides = array<i32>} : memref<1600x32xf32, #tpu.memory_space<vmem>>, vector<1x16xf32>,
        %parallel_loop3A_229 = vector.shape_cast %parallel_loop3A_228 : vector<1x16xf32> to vector<16xf32>
        %parallel_loop3A_230 = arith.addf %parallel_loop3A_222, %parallel_loop3A_229 : vector<16xf32>
        %parallel_loop3A_231 = arith.index_cast %parallel_loop3A_225 : i32 to index
        %parallel_loop3A_232 = arith.constant 16 : index
        %parallel_loop3A_233 = tpu.vector_load %arg9[%parallel_loop3A_231, %parallel_loop3A_232] {strides = array<i32>} : memref<1600x32xf32, #tpu.memory_space<vmem>>, vector<1x16xf32>,
        %parallel_loop3A_234 = vector.shape_cast %parallel_loop3A_233 : vector<1x16xf32> to vector<16xf32>
        %parallel_loop3A_235 = arith.addf %parallel_loop3A_223, %parallel_loop3A_234 : vector<16xf32>
        scf.yield %parallel_loop3A_230, %parallel_loop3A_235 : vector<16xf32>, vector<16xf32>
      } {sc.loop_unroll_factor = 8 : i64, sc.parallel_access}
      %mul3A_106 = arith.constant 8 : i32
      %mul3A_107 = arith.muli %scan3A_21, %mul3A_106 : i32
      %add3A_108 = arith.constant 3 : i32
      %add3A_109 = arith.addi %mul3A_107, %add3A_108 : i32
      %swap3A_110 = arith.index_cast %add3A_109 : i32 to index
      %swap3A_111 = arith.constant 0 : index
      %swap3A_112 = tpu.vector_load %arg10[%swap3A_110, %swap3A_111] {strides = array<i32>} : memref<128x32xf32, #tpu.memory_space<vmem>>, vector<1x16xf32>,
      %swap3A_113 = vector.shape_cast %swap3A_112 : vector<1x16xf32> to vector<16xf32>
      %swap3A_114 = vector.shape_cast %parallel_loop3A_105#0 : vector<16xf32> to vector<1x16xf32>
      tpu.vector_store %arg10[%swap3A_110, %swap3A_111], %swap3A_114 {strides = array<i32>} : memref<128x32xf32, #tpu.memory_space<vmem>>, vector<1x16xf32>,
      %mul3A_115 = arith.constant 8 : i32
      %mul3A_116 = arith.muli %scan3A_21, %mul3A_115 : i32
      %add3A_117 = arith.constant 3 : i32
      %add3A_118 = arith.addi %mul3A_116, %add3A_117 : i32
      %swap3A_119 = arith.index_cast %add3A_118 : i32 to index
      %swap3A_120 = arith.constant 16 : index
      %swap3A_121 = tpu.vector_load %arg10[%swap3A_119, %swap3A_120] {strides = array<i32>} : memref<128x32xf32, #tpu.memory_space<vmem>>, vector<1x16xf32>,
      %swap3A_122 = vector.shape_cast %swap3A_121 : vector<1x16xf32> to vector<16xf32>
      %swap3A_123 = vector.shape_cast %parallel_loop3A_105#1 : vector<16xf32> to vector<1x16xf32>
      tpu.vector_store %arg10[%swap3A_119, %swap3A_120], %swap3A_123 {strides = array<i32>} : memref<128x32xf32, #tpu.memory_space<vmem>>, vector<1x16xf32>,
      %broadcast_in_dim3A_124 = arith.constant 0.000000e+00 : f32
      %broadcast_in_dim3A_125 = vector.broadcast %broadcast_in_dim3A_124 : f32 to vector<16xf32>
      %parallel_loop3A_126 = arith.constant 0 : i32
      %parallel_loop3A_127 = arith.constant 200 : i32
      %parallel_loop3A_128 = arith.constant 1 : i32
      %parallel_loop3A_129:2 = scf.for %parallel_loop3A_221 = %parallel_loop3A_126 to %parallel_loop3A_127 step %parallel_loop3A_128 iter_args(%parallel_loop3A_222 = %broadcast_in_dim3A_125, %parallel_loop3A_223 = %broadcast_in_dim3A_125) -> (vector<16xf32>, vector<16xf32>)  : i32 {
        %parallel_loop3A_224 = arith.constant 800 : i32
        %parallel_loop3A_225 = arith.addi %parallel_loop3A_224, %parallel_loop3A_221 : i32
        %parallel_loop3A_226 = arith.index_cast %parallel_loop3A_225 : i32 to index
        %parallel_loop3A_227 = arith.constant 0 : index
        %parallel_loop3A_228 = tpu.vector_load %arg9[%parallel_loop3A_226, %parallel_loop3A_227] {strides = array<i32>} : memref<1600x32xf32, #tpu.memory_space<vmem>>, vector<1x16xf32>,
        %parallel_loop3A_229 = vector.shape_cast %parallel_loop3A_228 : vector<1x16xf32> to vector<16xf32>
        %parallel_loop3A_230 = arith.addf %parallel_loop3A_222, %parallel_loop3A_229 : vector<16xf32>
        %parallel_loop3A_231 = arith.index_cast %parallel_loop3A_225 : i32 to index
        %parallel_loop3A_232 = arith.constant 16 : index
        %parallel_loop3A_233 = tpu.vector_load %arg9[%parallel_loop3A_231, %parallel_loop3A_232] {strides = array<i32>} : memref<1600x32xf32, #tpu.memory_space<vmem>>, vector<1x16xf32>,
        %parallel_loop3A_234 = vector.shape_cast %parallel_loop3A_233 : vector<1x16xf32> to vector<16xf32>
        %parallel_loop3A_235 = arith.addf %parallel_loop3A_223, %parallel_loop3A_234 : vector<16xf32>
        scf.yield %parallel_loop3A_230, %parallel_loop3A_235 : vector<16xf32>, vector<16xf32>
      } {sc.loop_unroll_factor = 8 : i64, sc.parallel_access}
      %mul3A_130 = arith.constant 8 : i32
      %mul3A_131 = arith.muli %scan3A_21, %mul3A_130 : i32
      %add3A_132 = arith.constant 4 : i32
      %add3A_133 = arith.addi %mul3A_131, %add3A_132 : i32
      %swap3A_134 = arith.index_cast %add3A_133 : i32 to index
      %swap3A_135 = arith.constant 0 : index
      %swap3A_136 = tpu.vector_load %arg10[%swap3A_134, %swap3A_135] {strides = array<i32>} : memref<128x32xf32, #tpu.memory_space<vmem>>, vector<1x16xf32>,
      %swap3A_137 = vector.shape_cast %swap3A_136 : vector<1x16xf32> to vector<16xf32>
      %swap3A_138 = vector.shape_cast %parallel_loop3A_129#0 : vector<16xf32> to vector<1x16xf32>
      tpu.vector_store %arg10[%swap3A_134, %swap3A_135], %swap3A_138 {strides = array<i32>} : memref<128x32xf32, #tpu.memory_space<vmem>>, vector<1x16xf32>,
      %mul3A_139 = arith.constant 8 : i32
      %mul3A_140 = arith.muli %scan3A_21, %mul3A_139 : i32
      %add3A_141 = arith.constant 4 : i32
      %add3A_142 = arith.addi %mul3A_140, %add3A_141 : i32
      %swap3A_143 = arith.index_cast %add3A_142 : i32 to index
      %swap3A_144 = arith.constant 16 : index
      %swap3A_145 = tpu.vector_load %arg10[%swap3A_143, %swap3A_144] {strides = array<i32>} : memref<128x32xf32, #tpu.memory_space<vmem>>, vector<1x16xf32>,
      %swap3A_146 = vector.shape_cast %swap3A_145 : vector<1x16xf32> to vector<16xf32>
      %swap3A_147 = vector.shape_cast %parallel_loop3A_129#1 : vector<16xf32> to vector<1x16xf32>
      tpu.vector_store %arg10[%swap3A_143, %swap3A_144], %swap3A_147 {strides = array<i32>} : memref<128x32xf32, #tpu.memory_space<vmem>>, vector<1x16xf32>,
      %broadcast_in_dim3A_148 = arith.constant 0.000000e+00 : f32
      %broadcast_in_dim3A_149 = vector.broadcast %broadcast_in_dim3A_148 : f32 to vector<16xf32>
      %parallel_loop3A_150 = arith.constant 0 : i32
      %parallel_loop3A_151 = arith.constant 200 : i32
      %parallel_loop3A_152 = arith.constant 1 : i32
      %parallel_loop3A_153:2 = scf.for %parallel_loop3A_221 = %parallel_loop3A_150 to %parallel_loop3A_151 step %parallel_loop3A_152 iter_args(%parallel_loop3A_222 = %broadcast_in_dim3A_149, %parallel_loop3A_223 = %broadcast_in_dim3A_149) -> (vector<16xf32>, vector<16xf32>)  : i32 {
        %parallel_loop3A_224 = arith.constant 1000 : i32
        %parallel_loop3A_225 = arith.addi %parallel_loop3A_224, %parallel_loop3A_221 : i32
        %parallel_loop3A_226 = arith.index_cast %parallel_loop3A_225 : i32 to index
        %parallel_loop3A_227 = arith.constant 0 : index
        %parallel_loop3A_228 = tpu.vector_load %arg9[%parallel_loop3A_226, %parallel_loop3A_227] {strides = array<i32>} : memref<1600x32xf32, #tpu.memory_space<vmem>>, vector<1x16xf32>,
        %parallel_loop3A_229 = vector.shape_cast %parallel_loop3A_228 : vector<1x16xf32> to vector<16xf32>
        %parallel_loop3A_230 = arith.addf %parallel_loop3A_222, %parallel_loop3A_229 : vector<16xf32>
        %parallel_loop3A_231 = arith.index_cast %parallel_loop3A_225 : i32 to index
        %parallel_loop3A_232 = arith.constant 16 : index
        %parallel_loop3A_233 = tpu.vector_load %arg9[%parallel_loop3A_231, %parallel_loop3A_232] {strides = array<i32>} : memref<1600x32xf32, #tpu.memory_space<vmem>>, vector<1x16xf32>,
        %parallel_loop3A_234 = vector.shape_cast %parallel_loop3A_233 : vector<1x16xf32> to vector<16xf32>
        %parallel_loop3A_235 = arith.addf %parallel_loop3A_223, %parallel_loop3A_234 : vector<16xf32>
        scf.yield %parallel_loop3A_230, %parallel_loop3A_235 : vector<16xf32>, vector<16xf32>
      } {sc.loop_unroll_factor = 8 : i64, sc.parallel_access}
      %mul3A_154 = arith.constant 8 : i32
      %mul3A_155 = arith.muli %scan3A_21, %mul3A_154 : i32
      %add3A_156 = arith.constant 5 : i32
      %add3A_157 = arith.addi %mul3A_155, %add3A_156 : i32
      %swap3A_158 = arith.index_cast %add3A_157 : i32 to index
      %swap3A_159 = arith.constant 0 : index
      %swap3A_160 = tpu.vector_load %arg10[%swap3A_158, %swap3A_159] {strides = array<i32>} : memref<128x32xf32, #tpu.memory_space<vmem>>, vector<1x16xf32>,
      %swap3A_161 = vector.shape_cast %swap3A_160 : vector<1x16xf32> to vector<16xf32>
      %swap3A_162 = vector.shape_cast %parallel_loop3A_153#0 : vector<16xf32> to vector<1x16xf32>
      tpu.vector_store %arg10[%swap3A_158, %swap3A_159], %swap3A_162 {strides = array<i32>} : memref<128x32xf32, #tpu.memory_space<vmem>>, vector<1x16xf32>,
      %mul3A_163 = arith.constant 8 : i32
      %mul3A_164 = arith.muli %scan3A_21, %mul3A_163 : i32
      %add3A_165 = arith.constant 5 : i32
      %add3A_166 = arith.addi %mul3A_164, %add3A_165 : i32
      %swap3A_167 = arith.index_cast %add3A_166 : i32 to index
      %swap3A_168 = arith.constant 16 : index
      %swap3A_169 = tpu.vector_load %arg10[%swap3A_167, %swap3A_168] {strides = array<i32>} : memref<128x32xf32, #tpu.memory_space<vmem>>, vector<1x16xf32>,
      %swap3A_170 = vector.shape_cast %swap3A_169 : vector<1x16xf32> to vector<16xf32>
      %swap3A_171 = vector.shape_cast %parallel_loop3A_153#1 : vector<16xf32> to vector<1x16xf32>
      tpu.vector_store %arg10[%swap3A_167, %swap3A_168], %swap3A_171 {strides = array<i32>} : memref<128x32xf32, #tpu.memory_space<vmem>>, vector<1x16xf32>,
      %broadcast_in_dim3A_172 = arith.constant 0.000000e+00 : f32
      %broadcast_in_dim3A_173 = vector.broadcast %broadcast_in_dim3A_172 : f32 to vector<16xf32>
      %parallel_loop3A_174 = arith.constant 0 : i32
      %parallel_loop3A_175 = arith.constant 200 : i32
      %parallel_loop3A_176 = arith.constant 1 : i32
      %parallel_loop3A_177:2 = scf.for %parallel_loop3A_221 = %parallel_loop3A_174 to %parallel_loop3A_175 step %parallel_loop3A_176 iter_args(%parallel_loop3A_222 = %broadcast_in_dim3A_173, %parallel_loop3A_223 = %broadcast_in_dim3A_173) -> (vector<16xf32>, vector<16xf32>)  : i32 {
        %parallel_loop3A_224 = arith.constant 1200 : i32
        %parallel_loop3A_225 = arith.addi %parallel_loop3A_224, %parallel_loop3A_221 : i32
        %parallel_loop3A_226 = arith.index_cast %parallel_loop3A_225 : i32 to index
        %parallel_loop3A_227 = arith.constant 0 : index
        %parallel_loop3A_228 = tpu.vector_load %arg9[%parallel_loop3A_226, %parallel_loop3A_227] {strides = array<i32>} : memref<1600x32xf32, #tpu.memory_space<vmem>>, vector<1x16xf32>,
        %parallel_loop3A_229 = vector.shape_cast %parallel_loop3A_228 : vector<1x16xf32> to vector<16xf32>
        %parallel_loop3A_230 = arith.addf %parallel_loop3A_222, %parallel_loop3A_229 : vector<16xf32>
        %parallel_loop3A_231 = arith.index_cast %parallel_loop3A_225 : i32 to index
        %parallel_loop3A_232 = arith.constant 16 : index
        %parallel_loop3A_233 = tpu.vector_load %arg9[%parallel_loop3A_231, %parallel_loop3A_232] {strides = array<i32>} : memref<1600x32xf32, #tpu.memory_space<vmem>>, vector<1x16xf32>,
        %parallel_loop3A_234 = vector.shape_cast %parallel_loop3A_233 : vector<1x16xf32> to vector<16xf32>
        %parallel_loop3A_235 = arith.addf %parallel_loop3A_223, %parallel_loop3A_234 : vector<16xf32>
        scf.yield %parallel_loop3A_230, %parallel_loop3A_235 : vector<16xf32>, vector<16xf32>
      } {sc.loop_unroll_factor = 8 : i64, sc.parallel_access}
      %mul3A_178 = arith.constant 8 : i32
      %mul3A_179 = arith.muli %scan3A_21, %mul3A_178 : i32
      %add3A_180 = arith.constant 6 : i32
      %add3A_181 = arith.addi %mul3A_179, %add3A_180 : i32
      %swap3A_182 = arith.index_cast %add3A_181 : i32 to index
      %swap3A_183 = arith.constant 0 : index
      %swap3A_184 = tpu.vector_load %arg10[%swap3A_182, %swap3A_183] {strides = array<i32>} : memref<128x32xf32, #tpu.memory_space<vmem>>, vector<1x16xf32>,
      %swap3A_185 = vector.shape_cast %swap3A_184 : vector<1x16xf32> to vector<16xf32>
      %swap3A_186 = vector.shape_cast %parallel_loop3A_177#0 : vector<16xf32> to vector<1x16xf32>
      tpu.vector_store %arg10[%swap3A_182, %swap3A_183], %swap3A_186 {strides = array<i32>} : memref<128x32xf32, #tpu.memory_space<vmem>>, vector<1x16xf32>,
      %mul3A_187 = arith.constant 8 : i32
      %mul3A_188 = arith.muli %scan3A_21, %mul3A_187 : i32
      %add3A_189 = arith.constant 6 : i32
      %add3A_190 = arith.addi %mul3A_188, %add3A_189 : i32
      %swap3A_191 = arith.index_cast %add3A_190 : i32 to index
      %swap3A_192 = arith.constant 16 : index
      %swap3A_193 = tpu.vector_load %arg10[%swap3A_191, %swap3A_192] {strides = array<i32>} : memref<128x32xf32, #tpu.memory_space<vmem>>, vector<1x16xf32>,
      %swap3A_194 = vector.shape_cast %swap3A_193 : vector<1x16xf32> to vector<16xf32>
      %swap3A_195 = vector.shape_cast %parallel_loop3A_177#1 : vector<16xf32> to vector<1x16xf32>
      tpu.vector_store %arg10[%swap3A_191, %swap3A_192], %swap3A_195 {strides = array<i32>} : memref<128x32xf32, #tpu.memory_space<vmem>>, vector<1x16xf32>,
      %broadcast_in_dim3A_196 = arith.constant 0.000000e+00 : f32
      %broadcast_in_dim3A_197 = vector.broadcast %broadcast_in_dim3A_196 : f32 to vector<16xf32>
      %parallel_loop3A_198 = arith.constant 0 : i32
      %parallel_loop3A_199 = arith.constant 200 : i32
      %parallel_loop3A_200 = arith.constant 1 : i32
      %parallel_loop3A_201:2 = scf.for %parallel_loop3A_221 = %parallel_loop3A_198 to %parallel_loop3A_199 step %parallel_loop3A_200 iter_args(%parallel_loop3A_222 = %broadcast_in_dim3A_197, %parallel_loop3A_223 = %broadcast_in_dim3A_197) -> (vector<16xf32>, vector<16xf32>)  : i32 {
        %parallel_loop3A_224 = arith.constant 1400 : i32
        %parallel_loop3A_225 = arith.addi %parallel_loop3A_224, %parallel_loop3A_221 : i32
        %parallel_loop3A_226 = arith.index_cast %parallel_loop3A_225 : i32 to index
        %parallel_loop3A_227 = arith.constant 0 : index
        %parallel_loop3A_228 = tpu.vector_load %arg9[%parallel_loop3A_226, %parallel_loop3A_227] {strides = array<i32>} : memref<1600x32xf32, #tpu.memory_space<vmem>>, vector<1x16xf32>,
        %parallel_loop3A_229 = vector.shape_cast %parallel_loop3A_228 : vector<1x16xf32> to vector<16xf32>
        %parallel_loop3A_230 = arith.addf %parallel_loop3A_222, %parallel_loop3A_229 : vector<16xf32>
        %parallel_loop3A_231 = arith.index_cast %parallel_loop3A_225 : i32 to index
        %parallel_loop3A_232 = arith.constant 16 : index
        %parallel_loop3A_233 = tpu.vector_load %arg9[%parallel_loop3A_231, %parallel_loop3A_232] {strides = array<i32>} : memref<1600x32xf32, #tpu.memory_space<vmem>>, vector<1x16xf32>,
        %parallel_loop3A_234 = vector.shape_cast %parallel_loop3A_233 : vector<1x16xf32> to vector<16xf32>
        %parallel_loop3A_235 = arith.addf %parallel_loop3A_223, %parallel_loop3A_234 : vector<16xf32>
        scf.yield %parallel_loop3A_230, %parallel_loop3A_235 : vector<16xf32>, vector<16xf32>
      } {sc.loop_unroll_factor = 8 : i64, sc.parallel_access}
      %mul3A_202 = arith.constant 8 : i32
      %mul3A_203 = arith.muli %scan3A_21, %mul3A_202 : i32
      %add3A_204 = arith.constant 7 : i32
      %add3A_205 = arith.addi %mul3A_203, %add3A_204 : i32
      %swap3A_206 = arith.index_cast %add3A_205 : i32 to index
      %swap3A_207 = arith.constant 0 : index
      %swap3A_208 = tpu.vector_load %arg10[%swap3A_206, %swap3A_207] {strides = array<i32>} : memref<128x32xf32, #tpu.memory_space<vmem>>, vector<1x16xf32>,
      %swap3A_209 = vector.shape_cast %swap3A_208 : vector<1x16xf32> to vector<16xf32>
      %swap3A_210 = vector.shape_cast %parallel_loop3A_201#0 : vector<16xf32> to vector<1x16xf32>
      tpu.vector_store %arg10[%swap3A_206, %swap3A_207], %swap3A_210 {strides = array<i32>} : memref<128x32xf32, #tpu.memory_space<vmem>>, vector<1x16xf32>,
      %mul3A_211 = arith.constant 8 : i32
      %mul3A_212 = arith.muli %scan3A_21, %mul3A_211 : i32
      %add3A_213 = arith.constant 7 : i32
      %add3A_214 = arith.addi %mul3A_212, %add3A_213 : i32
      %swap3A_215 = arith.index_cast %add3A_214 : i32 to index
      %swap3A_216 = arith.constant 16 : index
      %swap3A_217 = tpu.vector_load %arg10[%swap3A_215, %swap3A_216] {strides = array<i32>} : memref<128x32xf32, #tpu.memory_space<vmem>>, vector<1x16xf32>,
      %swap3A_218 = vector.shape_cast %swap3A_217 : vector<1x16xf32> to vector<16xf32>
      %swap3A_219 = vector.shape_cast %parallel_loop3A_201#1 : vector<16xf32> to vector<1x16xf32>
      tpu.vector_store %arg10[%swap3A_215, %swap3A_216], %swap3A_219 {strides = array<i32>} : memref<128x32xf32, #tpu.memory_space<vmem>>, vector<1x16xf32>,
      %scan3A_220 = arith.constant 0 : i32
      scf.yield %scan3A_220 : i32
    }
    %scan3A_17 = arith.constant 16 : i32
    %mul3A_18 = arith.constant 128 : i32
    %mul3A_19 = arith.muli %add3A, %mul3A_18 : i32
    %multiple_of3A_20 = tpu.assume_multiple %mul3A_19, 8 : i32
    "tpu.region"() ({
      %run_scoped3A = tpu.sem_alloc : memref<!tpu.dma_semaphore, #tpu.memory_space<semaphore_mem>>
      %dma_start3A = arith.constant 0 : i32
      %dma_start3A_21 = tpu.memref_slice %arg6[%multiple_of3A_20, %dma_start3A] : memref<4096x32xf32, #tpu.memory_space<hbm>> -> memref<128x32xf32, #tpu.memory_space<hbm>>
      %dma_start3A_22 = arith.constant 0 : i32
      %dma_start3A_23 = tpu.memref_slice %arg6[%multiple_of3A_20, %dma_start3A_22] : memref<4096x32xf32, #tpu.memory_space<hbm>> -> memref<128x32xf32, #tpu.memory_space<hbm>>
      tpu.enqueue_dma source(%arg10 : memref<128x32xf32, #tpu.memory_space<vmem>>) target(%dma_start3A_23 : memref<128x32xf32, #tpu.memory_space<hbm>>) target_semaphore(%run_scoped3A : memref<!tpu.dma_semaphore, #tpu.memory_space<semaphore_mem>>)
      %dma_wait3A = arith.constant 0 : i32
      %dma_wait3A_24 = tpu.memref_slice %arg6[%multiple_of3A_20, %dma_wait3A] : memref<4096x32xf32, #tpu.memory_space<hbm>> -> memref<128x32xf32, #tpu.memory_space<hbm>>
      %dma_wait3A_25 = arith.constant 0 : i32
      %dma_wait3A_26 = tpu.memref_slice %arg6[%multiple_of3A_20, %dma_wait3A_25] : memref<4096x32xf32, #tpu.memory_space<hbm>> -> memref<128x32xf32, #tpu.memory_space<hbm>>
      tpu.wait_dma2 semaphore(%run_scoped3A : memref<!tpu.dma_semaphore, #tpu.memory_space<semaphore_mem>>) src(%arg10 : memref<128x32xf32, #tpu.memory_space<vmem>>) dst(%dma_wait3A_26 : memref<128x32xf32, #tpu.memory_space<hbm>>)
      tpu.yield
    }) : () -> ()
    return
  }
}

module attributes {stable_mosaic.version = 14 : i64} {
  func.func @_tc_body(%arg0: i32, %arg1: memref<256x32xf32, #tpu.memory_space<vmem>>, %arg2: memref<256x200xi32, #tpu.memory_space<vmem>>, %arg3: memref<1x32xf32, #tpu.memory_space<vmem>>, %arg4: memref<256x640xf32, #tpu.memory_space<vmem>>, %arg5: memref<32x64xf32, #tpu.memory_space<vmem>>, %arg6: memref<1x64xf32, #tpu.memory_space<vmem>>, %arg7: memref<64x128xf32, #tpu.memory_space<vmem>>, %arg8: memref<1x128xf32, #tpu.memory_space<vmem>>, %arg9: memref<128x32xf32, #tpu.memory_space<vmem>>, %arg10: memref<1x32xf32, #tpu.memory_space<vmem>>, %arg11: memref<256x20xf32, #tpu.memory_space<vmem>>) attributes {dimension_semantics = [#tpu.dimension_semantics<arbitrary>], iteration_bounds = array<i64: 16>, scalar_prefetch = 0 : i64, scratch_operands = 0 : i64, tpu.core_type = #tpu.core_type<tc>, window_params = [{transform_indices = @transform_0, window_bounds = array<i64: 256, 32>}, {transform_indices = @transform_1, window_bounds = array<i64: 256, 200>}, {pipeline_mode = #tpu.pipeline_mode<synchronous>, transform_indices = @transform_2, window_bounds = array<i64: 1, 32>}, {transform_indices = @transform_3, window_bounds = array<i64: 256, 640>}, {pipeline_mode = #tpu.pipeline_mode<synchronous>, transform_indices = @transform_4, window_bounds = array<i64: 32, 64>}, {pipeline_mode = #tpu.pipeline_mode<synchronous>, transform_indices = @transform_5, window_bounds = array<i64: 1, 64>}, {pipeline_mode = #tpu.pipeline_mode<synchronous>, transform_indices = @transform_6, window_bounds = array<i64: 64, 128>}, {pipeline_mode = #tpu.pipeline_mode<synchronous>, transform_indices = @transform_7, window_bounds = array<i64: 1, 128>}, {pipeline_mode = #tpu.pipeline_mode<synchronous>, transform_indices = @transform_8, window_bounds = array<i64: 128, 32>}, {pipeline_mode = #tpu.pipeline_mode<synchronous>, transform_indices = @transform_9, window_bounds = array<i64: 1, 32>}, {transform_indices = @transform_10, window_bounds = array<i64: 256, 20>}]} {
    %get3A = arith.constant 0 : index
    %get3A_0 = arith.constant 0 : index
    %get3A_1 = vector.load %arg1[%get3A, %get3A_0] : memref<256x32xf32, #tpu.memory_space<vmem>>, vector<256x32xf32>
    %get3A_2 = arith.constant 0 : index
    %get3A_3 = arith.constant 0 : index
    %get3A_4 = vector.load %arg2[%get3A_2, %get3A_3] : memref<256x200xi32, #tpu.memory_space<vmem>>, vector<256x200xi32>
    %eq3A = arith.constant 0 : i32
    %eq3A_5 = vector.broadcast %eq3A : i32 to vector<256x200xi32>
    %eq3A_6 = arith.cmpi eq, %get3A_4, %eq3A_5 : vector<256x200xi32>
    %jit3A = arith.constant 1.000000e+00 : f32
    %jit3A_7 = arith.constant 0.000000e+00 : f32
    %broadcast_in_dim3A = vector.broadcast %jit3A : f32 to vector<256x200xf32>
    %broadcast_in_dim3A_8 = vector.broadcast %jit3A_7 : f32 to vector<256x200xf32>
    %select_n3A = arith.select %eq3A_6, %broadcast_in_dim3A, %broadcast_in_dim3A_8 : vector<256x200xi1>, vector<256x200xf32>
    %reduce_sum3A = arith.constant dense<0.000000e+00> : vector<256xf32>
    %reduce_sum3A_9 = vector.multi_reduction <add>, %select_n3A, %reduce_sum3A [1] : vector<256x200xf32> to vector<256xf32>
    %broadcast_in_dim3A_10 = vector.shape_cast %reduce_sum3A_9 : vector<256xf32> to vector<256x1xf32>
    %get3A_11 = arith.constant 0 : index
    %get3A_12 = arith.constant 0 : index
    %get3A_13 = vector.load %arg3[%get3A_11, %get3A_12] : memref<1x32xf32, #tpu.memory_space<vmem>>, vector<1x32xf32>
    %mul3A = vector.broadcast %broadcast_in_dim3A_10 : vector<256x1xf32> to vector<256x32xf32>
    %mul3A_14 = vector.broadcast %get3A_13 : vector<1x32xf32> to vector<256x32xf32>
    %mul3A_15 = arith.mulf %mul3A, %mul3A_14 : vector<256x32xf32>
    %sub3A = arith.subf %get3A_1, %mul3A_15 : vector<256x32xf32>
    %mul3A_16 = arith.mulf %sub3A, %sub3A : vector<256x32xf32>
    %reduce_sum3A_17 = arith.constant dense<0.000000e+00> : vector<256xf32>
    %reduce_sum3A_18 = vector.multi_reduction <add>, %mul3A_16, %reduce_sum3A_17 [1] : vector<256x32xf32> to vector<256xf32>
    %broadcast_in_dim3A_19 = vector.shape_cast %reduce_sum3A_18 : vector<256xf32> to vector<256x1xf32>
    %max3A = arith.constant 9.99999974E-5 : f32
    %max3A_20 = vector.broadcast %max3A : f32 to vector<256x1xf32>
    %max3A_21 = arith.maximumf %broadcast_in_dim3A_19, %max3A_20 : vector<256x1xf32>
    %rsqrt3A = math.rsqrt %max3A_21 : vector<256x1xf32>
    %mul3A_22 = vector.broadcast %rsqrt3A : vector<256x1xf32> to vector<256x32xf32>
    %mul3A_23 = arith.mulf %sub3A, %mul3A_22 : vector<256x32xf32>
    %get3A_24 = arith.constant 0 : index
    %get3A_25 = arith.constant 0 : index
    %get3A_26 = vector.load %arg5[%get3A_24, %get3A_25] : memref<32x64xf32, #tpu.memory_space<vmem>>, vector<32x64xf32>
    %dot_general3A = arith.constant dense<0.000000e+00> : vector<256x64xf32>
    %dot_general3A_27 = tpu.matmul %mul3A_23, %get3A_26, %dot_general3A {dimension_numbers = #tpu.dot_dimension_numbers<[1], [0], [0], [1], [0, 0, 1, 1], [], []>, transpose_lhs_hint = false} : vector<256x32xf32>, vector<32x64xf32>, vector<256x64xf32> -> vector<256x64xf32>
    %get3A_28 = arith.constant 0 : index
    %get3A_29 = arith.constant 0 : index
    %get3A_30 = vector.load %arg6[%get3A_28, %get3A_29] : memref<1x64xf32, #tpu.memory_space<vmem>>, vector<1x64xf32>
    %add3A = vector.broadcast %get3A_30 : vector<1x64xf32> to vector<256x64xf32>
    %add3A_31 = arith.addf %dot_general3A_27, %add3A : vector<256x64xf32>
    %gt3A = arith.constant 0.000000e+00 : f32
    %gt3A_32 = vector.broadcast %gt3A : f32 to vector<256x64xf32>
    %gt3A_33 = arith.cmpf ogt, %add3A_31, %gt3A_32 : vector<256x64xf32>
    %exp3A = math.exp %add3A_31 : vector<256x64xf32>
    %sub3A_34 = arith.constant 1.000000e+00 : f32
    %sub3A_35 = vector.broadcast %sub3A_34 : f32 to vector<256x64xf32>
    %sub3A_36 = arith.subf %exp3A, %sub3A_35 : vector<256x64xf32>
    %mul3A_37 = arith.constant 1.67326319 : f32
    %mul3A_38 = vector.broadcast %mul3A_37 : f32 to vector<256x64xf32>
    %mul3A_39 = arith.mulf %mul3A_38, %sub3A_36 : vector<256x64xf32>
    %select_n3A_40 = arith.select %gt3A_33, %add3A_31, %mul3A_39 : vector<256x64xi1>, vector<256x64xf32>
    %mul3A_41 = arith.constant 1.05070102 : f32
    %mul3A_42 = vector.broadcast %mul3A_41 : f32 to vector<256x64xf32>
    %mul3A_43 = arith.mulf %mul3A_42, %select_n3A_40 : vector<256x64xf32>
    %get3A_44 = arith.constant 0 : index
    %get3A_45 = arith.constant 0 : index
    %get3A_46 = vector.load %arg7[%get3A_44, %get3A_45] : memref<64x128xf32, #tpu.memory_space<vmem>>, vector<64x128xf32>
    %dot_general3A_47 = arith.constant dense<0.000000e+00> : vector<256x128xf32>
    %dot_general3A_48 = tpu.matmul %mul3A_43, %get3A_46, %dot_general3A_47 {dimension_numbers = #tpu.dot_dimension_numbers<[1], [0], [0], [1], [0, 0, 1, 1], [], []>, transpose_lhs_hint = false} : vector<256x64xf32>, vector<64x128xf32>, vector<256x128xf32> -> vector<256x128xf32>
    %get3A_49 = arith.constant 0 : index
    %get3A_50 = arith.constant 0 : index
    %get3A_51 = vector.load %arg8[%get3A_49, %get3A_50] : memref<1x128xf32, #tpu.memory_space<vmem>>, vector<1x128xf32>
    %add3A_52 = vector.broadcast %get3A_51 : vector<1x128xf32> to vector<256x128xf32>
    %add3A_53 = arith.addf %dot_general3A_48, %add3A_52 : vector<256x128xf32>
    %gt3A_54 = arith.constant 0.000000e+00 : f32
    %gt3A_55 = vector.broadcast %gt3A_54 : f32 to vector<256x128xf32>
    %gt3A_56 = arith.cmpf ogt, %add3A_53, %gt3A_55 : vector<256x128xf32>
    %exp3A_57 = math.exp %add3A_53 : vector<256x128xf32>
    %sub3A_58 = arith.constant 1.000000e+00 : f32
    %sub3A_59 = vector.broadcast %sub3A_58 : f32 to vector<256x128xf32>
    %sub3A_60 = arith.subf %exp3A_57, %sub3A_59 : vector<256x128xf32>
    %mul3A_61 = arith.constant 1.67326319 : f32
    %mul3A_62 = vector.broadcast %mul3A_61 : f32 to vector<256x128xf32>
    %mul3A_63 = arith.mulf %mul3A_62, %sub3A_60 : vector<256x128xf32>
    %select_n3A_64 = arith.select %gt3A_56, %add3A_53, %mul3A_63 : vector<256x128xi1>, vector<256x128xf32>
    %mul3A_65 = arith.constant 1.05070102 : f32
    %mul3A_66 = vector.broadcast %mul3A_65 : f32 to vector<256x128xf32>
    %mul3A_67 = arith.mulf %mul3A_66, %select_n3A_64 : vector<256x128xf32>
    %get3A_68 = arith.constant 0 : index
    %get3A_69 = arith.constant 0 : index
    %get3A_70 = vector.load %arg9[%get3A_68, %get3A_69] : memref<128x32xf32, #tpu.memory_space<vmem>>, vector<128x32xf32>
    %dot_general3A_71 = arith.constant dense<0.000000e+00> : vector<256x32xf32>
    %dot_general3A_72 = tpu.matmul %mul3A_67, %get3A_70, %dot_general3A_71 {dimension_numbers = #tpu.dot_dimension_numbers<[1], [0], [0], [1], [0, 0, 1, 1], [], []>, transpose_lhs_hint = false} : vector<256x128xf32>, vector<128x32xf32>, vector<256x32xf32> -> vector<256x32xf32>
    %get3A_73 = arith.constant 0 : index
    %get3A_74 = arith.constant 0 : index
    %get3A_75 = vector.load %arg10[%get3A_73, %get3A_74] : memref<1x32xf32, #tpu.memory_space<vmem>>, vector<1x32xf32>
    %add3A_76 = vector.broadcast %get3A_75 : vector<1x32xf32> to vector<256x32xf32>
    %add3A_77 = arith.addf %dot_general3A_72, %add3A_76 : vector<256x32xf32>
    %get3A_78 = arith.constant 0 : index
    %get3A_79 = arith.constant 0 : index
    %get3A_80 = vector.load %arg4[%get3A_78, %get3A_79] : memref<256x640xf32, #tpu.memory_space<vmem>>, vector<256x640xf32>
    %concatenate3A = tpu.concatenate %add3A_77, %add3A_77, %add3A_77, %add3A_77, %add3A_77, %add3A_77, %add3A_77, %add3A_77, %add3A_77, %add3A_77, %add3A_77, %add3A_77, %add3A_77, %add3A_77, %add3A_77, %add3A_77, %add3A_77, %add3A_77, %add3A_77, %add3A_77 in 1 : vector<256x32xf32>, vector<256x32xf32>, vector<256x32xf32>, vector<256x32xf32>, vector<256x32xf32>, vector<256x32xf32>, vector<256x32xf32>, vector<256x32xf32>, vector<256x32xf32>, vector<256x32xf32>, vector<256x32xf32>, vector<256x32xf32>, vector<256x32xf32>, vector<256x32xf32>, vector<256x32xf32>, vector<256x32xf32>, vector<256x32xf32>, vector<256x32xf32>, vector<256x32xf32>, vector<256x32xf32> -> vector<256x640xf32>
    %sub3A_81 = arith.subf %get3A_80, %concatenate3A : vector<256x640xf32>
    %sub3A_82 = arith.subf %get3A_80, %concatenate3A : vector<256x640xf32>
    %mul3A_83 = arith.mulf %sub3A_81, %sub3A_82 : vector<256x640xf32>
    %iota3A = tpu.iota {dimensions = array<i32: 0>} : vector<640x20xi32>
    %iota3A_84 = tpu.iota {dimensions = array<i32: 1>} : vector<640x20xi32>
    %jit3A_85 = arith.constant 32 : i32
    %div3A = vector.broadcast %jit3A_85 : i32 to vector<640x20xi32>
    %div3A_86 = arith.divsi %iota3A, %div3A : vector<640x20xi32>
    %sign3A = arith.constant 0 : i32
    %sign3A_87 = vector.broadcast %sign3A : i32 to vector<640x20xi32>
    %sign3A_88 = arith.cmpi sgt, %iota3A, %sign3A_87 : vector<640x20xi32>
    %sign3A_89 = arith.extui %sign3A_88 : vector<640x20xi1> to vector<640x20xi32>
    %sign3A_90 = arith.constant 0 : i32
    %sign3A_91 = vector.broadcast %sign3A_90 : i32 to vector<640x20xi32>
    %sign3A_92 = arith.cmpi slt, %iota3A, %sign3A_91 : vector<640x20xi32>
    %sign3A_93 = arith.extui %sign3A_92 : vector<640x20xi1> to vector<640x20xi32>
    %sign3A_94 = arith.subi %sign3A_89, %sign3A_93 : vector<640x20xi32>
    %sign3A_95 = arith.constant 0 : i32
    %sign3A_96 = arith.cmpi sgt, %jit3A_85, %sign3A_95 : i32
    %sign3A_97 = arith.extui %sign3A_96 : i1 to i32
    %sign3A_98 = arith.constant 0 : i32
    %sign3A_99 = arith.cmpi slt, %jit3A_85, %sign3A_98 : i32
    %sign3A_100 = arith.extui %sign3A_99 : i1 to i32
    %sign3A_101 = arith.subi %sign3A_97, %sign3A_100 : i32
    %ne3A = vector.broadcast %sign3A_101 : i32 to vector<640x20xi32>
    %ne3A_102 = arith.cmpi ne, %sign3A_94, %ne3A : vector<640x20xi32>
    %rem3A = vector.broadcast %jit3A_85 : i32 to vector<640x20xi32>
    %rem3A_103 = arith.remsi %iota3A, %rem3A : vector<640x20xi32>
    %ne3A_104 = arith.constant 0 : i32
    %ne3A_105 = vector.broadcast %ne3A_104 : i32 to vector<640x20xi32>
    %ne3A_106 = arith.cmpi ne, %rem3A_103, %ne3A_105 : vector<640x20xi32>
    %and3A = arith.andi %ne3A_102, %ne3A_106 : vector<640x20xi1>
    %sub3A_107 = arith.constant 1 : i32
    %sub3A_108 = vector.broadcast %sub3A_107 : i32 to vector<640x20xi32>
    %sub3A_109 = arith.subi %div3A_86, %sub3A_108 : vector<640x20xi32>
    %select_n3A_110 = arith.select %and3A, %sub3A_109, %div3A_86 : vector<640x20xi1>, vector<640x20xi32>
    %eq3A_111 = arith.cmpi eq, %select_n3A_110, %iota3A_84 : vector<640x20xi32>
    %jit3A_112 = arith.constant 1.000000e+00 : f32
    %jit3A_113 = arith.constant 0.000000e+00 : f32
    %broadcast_in_dim3A_114 = vector.broadcast %jit3A_112 : f32 to vector<640x20xf32>
    %broadcast_in_dim3A_115 = vector.broadcast %jit3A_113 : f32 to vector<640x20xf32>
    %select_n3A_116 = arith.select %eq3A_111, %broadcast_in_dim3A_114, %broadcast_in_dim3A_115 : vector<640x20xi1>, vector<640x20xf32>
    %dot_general3A_117 = arith.constant dense<0.000000e+00> : vector<256x20xf32>
    %dot_general3A_118 = tpu.matmul %mul3A_83, %select_n3A_116, %dot_general3A_117 {dimension_numbers = #tpu.dot_dimension_numbers<[1], [0], [0], [1], [0, 0, 1, 1], [], []>, transpose_lhs_hint = false} : vector<256x640xf32>, vector<640x20xf32>, vector<256x20xf32> -> vector<256x20xf32>
    %add3A_119 = arith.constant 1.000000e+00 : f32
    %add3A_120 = vector.broadcast %add3A_119 : f32 to vector<256x20xf32>
    %add3A_121 = arith.addf %add3A_120, %dot_general3A_118 : vector<256x20xf32>
    %div3A_122 = arith.constant 1.000000e+00 : f32
    %div3A_123 = vector.broadcast %div3A_122 : f32 to vector<256x20xf32>
    %div3A_124 = arith.divf %div3A_123, %add3A_121 : vector<256x20xf32>
    %swap3A = arith.constant 0 : index
    %swap3A_125 = arith.constant 0 : index
    %swap3A_126 = vector.load %arg11[%swap3A, %swap3A_125] : memref<256x20xf32, #tpu.memory_space<vmem>>, vector<256x20xf32>
    tpu.vector_store %arg11[%swap3A, %swap3A_125], %div3A_124 {strides = array<i32>} : memref<256x20xf32, #tpu.memory_space<vmem>>, vector<256x20xf32>,
    return
  }
  func.func @transform_0(%arg0: i32) -> (i32, i32) {
    %c0_i32 = arith.constant 0 : i32
    %c0_i32_0 = arith.constant 0 : i32
    return %arg0, %c0_i32 : i32, i32
  }
  func.func @transform_1(%arg0: i32) -> (i32, i32) {
    %c0_i32 = arith.constant 0 : i32
    %c0_i32_0 = arith.constant 0 : i32
    return %arg0, %c0_i32 : i32, i32
  }
  func.func @transform_2(%arg0: i32) -> (i32, i32) {
    %c0_i32 = arith.constant 0 : i32
    %c0_i32_0 = arith.constant 0 : i32
    %c0_i32_1 = arith.constant 0 : i32
    return %c0_i32, %c0_i32_0 : i32, i32
  }
  func.func @transform_3(%arg0: i32) -> (i32, i32) {
    %c0_i32 = arith.constant 0 : i32
    %c0_i32_0 = arith.constant 0 : i32
    return %arg0, %c0_i32 : i32, i32
  }
  func.func @transform_4(%arg0: i32) -> (i32, i32) {
    %c0_i32 = arith.constant 0 : i32
    %c0_i32_0 = arith.constant 0 : i32
    %c0_i32_1 = arith.constant 0 : i32
    return %c0_i32, %c0_i32_0 : i32, i32
  }
  func.func @transform_5(%arg0: i32) -> (i32, i32) {
    %c0_i32 = arith.constant 0 : i32
    %c0_i32_0 = arith.constant 0 : i32
    %c0_i32_1 = arith.constant 0 : i32
    return %c0_i32, %c0_i32_0 : i32, i32
  }
  func.func @transform_6(%arg0: i32) -> (i32, i32) {
    %c0_i32 = arith.constant 0 : i32
    %c0_i32_0 = arith.constant 0 : i32
    %c0_i32_1 = arith.constant 0 : i32
    return %c0_i32, %c0_i32_0 : i32, i32
  }
  func.func @transform_7(%arg0: i32) -> (i32, i32) {
    %c0_i32 = arith.constant 0 : i32
    %c0_i32_0 = arith.constant 0 : i32
    %c0_i32_1 = arith.constant 0 : i32
    return %c0_i32, %c0_i32_0 : i32, i32
  }
  func.func @transform_8(%arg0: i32) -> (i32, i32) {
    %c0_i32 = arith.constant 0 : i32
    %c0_i32_0 = arith.constant 0 : i32
    %c0_i32_1 = arith.constant 0 : i32
    return %c0_i32, %c0_i32_0 : i32, i32
  }
  func.func @transform_9(%arg0: i32) -> (i32, i32) {
    %c0_i32 = arith.constant 0 : i32
    %c0_i32_0 = arith.constant 0 : i32
    %c0_i32_1 = arith.constant 0 : i32
    return %c0_i32, %c0_i32_0 : i32, i32
  }
  func.func @transform_10(%arg0: i32) -> (i32, i32) {
    %c0_i32 = arith.constant 0 : i32
    %c0_i32_0 = arith.constant 0 : i32
    return %arg0, %c0_i32 : i32, i32
  }
}

</mosaic_0001>

<sc_bundles>
// kernel: kernel.4.cloned.1.call-start
scs
__scs_entry_jumppad:
0x0: {  	(pc) =	sbr.rel $0x88, $3  }
0x1: {  	(tag) =	ssettag $0x0;
	lr =	simm.s32 $0x1  }
0x2: {  	[smem:$0x3F97] =	sst lr;
	_ =	strace $0xD0000000  }
0x3: {  	_ = 	snop  }
0x4: {  	_ = 	snop  }
0x5: {  	_ = 	snop  }
0x6: {  	_ = 	snop  }
0x7: {  	_ = 	snop  }
__scs_overlays_trampoline_lowered:
0x8: {  	[smem:$0x3FA6] =	sst s0  }
0x9: {  	[smem:$0x3FA7] =	sst s1  }
0xa: {  	[smem:$0x3FA8] =	sst s2  }
0xb: {  	[smem:$0x3FA9] =	sst s3  }
0xc: {  	[smem:$0x3FAA] =	sst s4  }
0xd: {  	[smem:$0x3FAB] =	sst s5  }
0xe: {  	[smem:$0x3FAC] =	sst s6  }
0xf: {  	[smem:$0x3FAD] =	sst s7  }
0x10: {  	[smem:$0x3FAE] =	sst s8  }
0x11: {  	[smem:$0x3FAF] =	sst s9;
	s0 =	simm.s32 @!p0 $0x0  }
0x12: {  	s1 =	sld [smem:$0x3F95];
	s0 =	simm.s32 @p0 $0x1  }
0x13: {  	[smem:$0x3FB0] =	sst s0;
	s0 =	simm.s32 @!p1 $0x0  }
0x14: {  	s2 =	sld [smem:$0x3F94];
	s0 =	simm.s32 @p1 $0x1  }
0x15: {  	[smem:$0x3FB1] =	sst s0;
	s0 =	simm.s32 @!p2 $0x0  }
0x16: {  	s3 =	sld [smem:$0x3FDB];
	s0 =	simm.s32 @p2 $0x1  }
0x17: {  	s4 =	simm.s32 $0x1BF5;
	[smem:$0x3FB3] =	sst s0  }
0x18: {  	s0 =	sld [smem:$0x3F96];
	_ =	swait.ge [sflag:s4], $0x0  }
0x19: {  	s7 =	sld [smem:$0x3F97]  }
0x1a: {  	s8 =	sadd.s32 $0xFFFFE003, lr  }
0x1b: {  	s9 =	sadd.s32 $0xFFFFFEF7, lr;
	s5 =	simm.s32 $0xFFFFFFFF;
	p2 =	slt.u32 s8, $0xFFFFF086  }
0x1c: {  	p1 =	slt.u32 s9, $0xF7A;
	s5 =	simm.s32 @!p2 $0x0  }
0x1d: {  	s5 =	simm.s32 @p1 $0x1;
	p0 =	seq.s32 s7, s2  }
0x1e: {  	s7 =	smul.u32 @!p0 $0xF7A, s2;
	p2 =	seq.s32 @!p0 s5, $0x0  }
0x1f: {  	s9 =	smul.u32 $0xF7A, s1;
	s8 =	simm.s32 @!p0 $0x1BF5;
	p2 =	por !p2, p0  }
0x20: {  	[sflag:s8] =	ssyncset.s32 @!p0 $0xFFFFF086;
	s6 =	sadd.s32 @!p0 s3, s7;
	s7 =	simm.s32 @!p0 $0x108  }
0x21: {  	s3 =	sadd.s32 s3, s9;
	s6 =	sadd.s32 @!p0 $0x88, s6;
	s7 =	simm.s32 @p2 $0x1082  }
0x22: {  	[simem:s7], [sflag:s8] =	dma.local @!p0 [hbm:s6], $0xF7A  }
0x23: {  	s9 =	sor.u32 $0xD0000000, s2;
	s6 =	simm.s32 $0x108;
	_ =	swait.ge @!p0 [sflag:s8], $0x0  }
0x24: {  	s3 =	sadd.s32 $0x88, s3;
	s6 =	simm.s32 @!p1 $0x1082;
	[sflag:s4] =	ssyncset.s32 $0xFFFFF086  }
0x25: {  	[simem:s6], [sflag:s4] =	dma.local [hbm:s3], $0xF7A  }
0x26: {  	[smem:$0x3F97] =	sst s1;
	(tag) =	ssettag s2;
	_ =	strace s9  }
0x27: {  	s1 =	sld [smem:$0x3FA7]  }
0x28: {  	s2 =	sld [smem:$0x3FA8]  }
0x29: {  	s4 =	sld [smem:$0x3FAA]  }
0x2a: {  	p0 =	seq.s32 s5, $0x0;
	s5 =	sld [smem:$0x3FAB]  }
0x2b: {  	s6 =	sld [smem:$0x3FAC]  }
0x2c: {  	s7 =	sld [smem:$0x3FAD]  }
0x2d: {  	s3 =	simm.s32 $0x108;
	s8 =	sld [smem:$0x3FAE]  }
0x2e: {  	s3 =	simm.s32 @!p0 $0x1082;
	s9 =	sld [smem:$0x3FAF]  }
0x2f: {  	lr =	sadd.s32 s0, s3;
	s0 =	sld [smem:$0x3FA6]  }
0x30: {  	s3 =	sld [smem:$0x3FA9]  }
0x31: {  	[smem:$0x3FB2] =	sst s10  }
0x32: {  	s10 =	sld [smem:$0x3FB0];
	_ =	sdelay $0x3  }
0x33: {  	p0 =	seq.s32 s10, $0x1;
	s10 =	sld [smem:$0x3FB2];
	_ =	sdelay $0x3  }
0x34: {  	[smem:$0x3FB2] =	sst s10  }
0x35: {  	s10 =	sld [smem:$0x3FB1];
	_ =	sdelay $0x3  }
0x36: {  	p1 =	seq.s32 s10, $0x1;
	s10 =	sld [smem:$0x3FB2];
	_ =	sdelay $0x3  }
0x37: {  	[smem:$0x3FB2] =	sst s10  }
0x38: {  	s10 =	sld [smem:$0x3FB3]  }
0x39: {  	_ = 	snop;
	(pc) =	sbr.ind lr, $3  }
0x3a: {  	_ = 	snop  }
0x3b: {  	_ = 	snop  }
0x3c: {  	p2 =	seq.s32 s10, $0x1;
	s10 =	sld [smem:$0x3FB2]  }
0x3d: {  	_ =	shalt  }
0x3e: {  	_ =	shalt  }
0x3f: {  	_ =	shalt  }
0x40: {  	_ =	shalt  }
0x41: {  	_ =	shalt  }
0x42: {  	_ =	shalt  }
0x43: {  	_ =	shalt  }
0x44: {  	_ =	shalt  }
0x45: {  	_ =	shalt  }
0x46: {  	_ =	shalt  }
0x47: {  	_ =	shalt  }
0x48: {  	_ =	shalt  }
0x49: {  	_ =	shalt  }
0x4a: {  	_ =	shalt  }
0x4b: {  	_ =	shalt  }
0x4c: {  	_ =	shalt  }
0x4d: {  	_ =	shalt  }
0x4e: {  	_ =	shalt  }
0x4f: {  	_ =	shalt  }
0x50: {  	_ =	shalt  }
0x51: {  	_ =	shalt  }
0x52: {  	_ =	shalt  }
0x53: {  	_ =	shalt  }
0x54: {  	_ =	shalt  }
0x55: {  	_ =	shalt  }
0x56: {  	_ =	shalt  }
0x57: {  	_ =	shalt  }
0x58: {  	_ =	shalt  }
0x59: {  	_ =	shalt  }
0x5a: {  	_ =	shalt  }
0x5b: {  	_ =	shalt  }
0x5c: {  	_ =	shalt  }
0x5d: {  	_ =	shalt  }
0x5e: {  	_ =	shalt  }
0x5f: {  	_ =	shalt  }
0x60: {  	_ =	shalt  }
0x61: {  	_ =	shalt  }
0x62: {  	_ =	shalt  }
0x63: {  	_ =	shalt  }
0x64: {  	_ =	shalt  }
0x65: {  	_ =	shalt  }
0x66: {  	_ =	shalt  }
0x67: {  	_ =	shalt  }
0x68: {  	_ =	shalt  }
0x69: {  	_ =	shalt  }
0x6a: {  	_ =	shalt  }
0x6b: {  	_ =	shalt  }
0x6c: {  	_ =	shalt  }
0x6d: {  	_ =	shalt  }
0x6e: {  	_ =	shalt  }
0x6f: {  	_ =	shalt  }
0x70: {  	_ =	shalt  }
0x71: {  	_ =	shalt  }
0x72: {  	_ =	shalt  }
0x73: {  	_ =	shalt  }
0x74: {  	_ =	shalt  }
0x75: {  	_ =	shalt  }
0x76: {  	_ =	shalt  }
0x77: {  	_ =	shalt  }
0x78: {  	_ =	shalt  }
0x79: {  	_ =	shalt  }
0x7a: {  	_ =	shalt  }
0x7b: {  	_ =	shalt  }
0x7c: {  	_ =	shalt  }
0x7d: {  	_ =	shalt  }
0x7e: {  	_ =	shalt  }
0x7f: {  	_ =	shalt  }
0x80: {  	_ =	shalt  }
0x81: {  	_ =	shalt  }
0x82: {  	_ =	shalt  }
0x83: {  	_ =	shalt  }
0x84: {  	_ =	shalt  }
0x85: {  	_ =	shalt  }
0x86: {  	_ =	shalt  }
0x87: {  	_ =	shalt  }
.Lfunc_end0:
.L_simem_size_0:
called_computation_lowered:
.L_overlay_start_0:
0x88: {  	s2 =	sld [smem:$0x3FD9]  }
0x89: {  	s3 =	sld [smem:$0x3FFE];
	_ =	sdelay $0x1  }
0x8a: {  	s1 =	srdreg.scid  }
0x8b: {  	s0 =	sand.u32 $0x1, s1  }
0x8c: {  	s17 =	sshll.u32 s0, $0xA;
	s2 =	sadd.s32 s3, s2  }
0x8d: {  	s2 =	sadd.s32 s2, s17  }
0x8e: {  	[smem:$0x3FBE] =	sst s2  }
0x8f: {  	_ = 	snop  }
0x90: {  	s2 =	sld [smem:$0x3FD0];
	(tm) =	ssettm $0x1  }
0x91: {  	s18 =	sld [smem:$0x3FFB];
	_ =	sdelay $0x3  }
0x92: {  	_ =	strace s18  }
0x93: {  	s3 =	sld [smem:$0x3FFC];
	_ =	sdelay $0x3  }
0x94: {  	_ =	strace s3  }
0x95: {  	s3 =	sld [smem:$0x3FFD];
	_ =	sdelay $0x3  }
0x96: {  	_ =	strace s3  }
0x97: {  	_ =	strace $0x8FFFFFFF  }
0x98: {  	s19 =	sld [smem:$0x3FDB];
	_ =	sdelay $0x1  }
0x99: {  	s4 =	simm.s32 $_scs_section_size  }
0x9a: {  	s5 =	simm.s32 $_size__tile_overlayer_lowered;
	s6 =	simm.s32 $_tile_overlayer_lowered  }
0x9b: {  	s22 =	simm.s32 $0x1BFF;
	s21 =	sshll.u32 s6, $0x1;
	s3 =	sadd.s32 s4, s19  }
0x9c: {  	s7 =	simm.s32 $0x0;
	s20 =	sshll.u32 s5, $0x1;
	s5 =	sadd.s32 s21, s3  }
0x9d: {  	[timem:s7], [sflag:s22] =	dma.local [hbm:s5], s20  }
0x9e: {  	_ =	swait.ge [sflag:s22], s20  }
0x9f: {  	s4 =	ssub.s32 $0x0, s20;
	[sflag:s22] =	ssyncset.done $0x0  }
0xa0: {  	[sflag:s22] =	ssyncadd.s32 s4;
	_ =	sdelay $0x1  }
0xa1: {  	s23 =	simm.s32 $0x1B8B  }
0xa2: {  	_ =	swait.ge [sflag:s23], $0x1  }
0xa3: {  	[sflag:s23] =	ssyncset.done $0x0  }
0xa4: {  	s25 =	simm.s32 $0x1B8E;
	s24 =	sld [smem:$0x3FFE];
	[sflag:s23] =	ssyncadd.s32 $0xFFFFFFFF  }
0xa5: {  	s26 =	simm.s32 $execute0_lowered;
	[smem:$0x3FD2] =	sst s25  }
0xa6: {  	s5 =	sshll.u32 s26, $0x1;
	_ =	strace $0x80000046;
	[dreg:$0x1] =	wrdreg $0xFFFFFFFF  }
0xa7: {  	s28 =	simm.s32 $_size_execute0_lowered;
	s3 =	sadd.s32 s3, s5;
	[dreg:$0x0] =	wrdreg $0x0  }
0xa8: {  	s5 =	sshll.u32 s28, $0x1;
	[dreg:$0x2] =	wrdreg s3  }
0xa9: {  	[dreg:$0x3] =	wrdreg s5  }
0xaa: {  	[dreg:$0x4] =	wrdreg $0xC0  }
0xab: {  	_ =	task [dreg:s7], $0x5FFFF  }
0xac: {  	[dreg:$0x1] =	wrdreg $0xFFFFFFFF  }
0xad: {  	[dreg:$0x0] =	wrdreg $0x60  }
0xae: {  	[dreg:$0x2] =	wrdreg s2  }
0xaf: {  	[dreg:$0x3] =	wrdreg s24  }
0xb0: {  	[dreg:$0x4] =	wrdreg $0x9  }
0xb1: {  	_ =	task.clear_ibuf [dreg:s7], $0x5FFFF;
	_ =	strace $0x90000046  }
0xb2: {  	s29 =	simm.s32 $0x9;
	_ =	strace $0x80000048  }
0xb3: {  	_ =	swait.ge [sflag:s29], $0x1  }
0xb4: {  	[sflag:s29] =	ssyncadd.s32 $0xFFFFFFFF  }
0xb5: {  	_ =	strace $0x90000048  }
0xb6: {  	_ =	sfence  }
0xb7: {  	s30 =	sld [smem:$0x0];
	_ =	sdelay $0x2  }
0xb8: {  	s31 =	sshll.u32 s1, $0xD;
	s1 =	sshrl.u32 s1, $0x2  }
0xb9: {  	s3 =	sand.u32 $0x4000, s31;
	s1 =	sadd.s32 s1, s30  }
0xba: {  	s0 =	sor.u32 s3, s0;
	s1 =	sshll.u32 s1, $0x11  }
0xbb: {  	s0 =	sor.u32 s1, s0  }
0xbc: {  	s0 =	sadd.s32 $0x8F2B, s0  }
0xbd: {  	[sflag:s0] =	ssyncadd.remote.s32 $0x1  }
0xbe: {  	_ =	sfence.sel $0xFFFF  }
0xbf: {  	[dreg:$0x0] =	wrdreg $0xFFFFFFFF;
	(pc) =	sbr.abs _section_cstart, $3  }
0xc0: {  	[dreg:$0x1] =	wrdreg $0xFFFFFFFF  }
0xc1: {  	_ =	task.clear_ibuf [dreg:s7], $0x2FFFF;
	_ =	strace $0x9FFFFFFF  }
0xc2: {  	(tm) =	ssettm $0x7FFFFFFF  }
0xc3: {  	_ =	shalt  }
tec
execute0_lowered:
.L_overlay_start_1:
0x0: {  	(tag) =	ssettag $0x1  }
0x1: {  	s7 =	rddreg [dreg:$0x0]  }
0x2: {  	s6 =	rddreg [dreg:$0x1]  }
0x3: {  	s0 =	rddreg [dreg:$0x2];
	s2 =	simm.s32 $0x0  }
0x4: {  	s3 =	srdreg.scid;
	s1 =	stileid.u32;
	s15 =	simm.s32 $0xDE40  }
0x5: {  	s16 =	simm.s32 $0x2;
	s17 =	simm.s32 $0x200;
	s18 =	simm.s32 $0xE840  }
0x6: {  	s19 =	simm.s32 $0x1;
	s20 =	simm.s32 $0xE040;
	s21 =	simm.s32 $0xE240  }
0x7: {  	s22 =	simm.s32 $0xE440;
	s23 =	simm.s32 $0xE640;
	s24 =	simm.s32 $0x640  }
0x8: {  	s25 =	simm.s32 $0xCE40;
	s26 =	simm.s32 $0x0;
	[smem:$0x7FF] =	sst s2  }
0x9: {  	s8 =	sand.u32 $0x1, s3;
	s5 =	sshll.u32 s1, $0x1;
	s3 =	sadd.s32 $0x1A00, s6  }
0xa: {  	s4 =	sadd.s32 $0x226FC00, s6;
	_ =	strace $0x80000047;
	s9 =	sor.u32 s8, s5  }
0xb: {  	s5 =	sadd.s32 $0xF5CE00, s6;
	s8 =	ssub.s32 $0x2, s8;
	s10 =	smul.u32 $0x2800, s9  }
0xc: {  	s11 =	sshll.u32 s9, $0x9;
	s12 =	sshrl.u32 s8, $0x1;
	s13 =	smul.u32 $0x140, s9  }
0xd: {  	s11 =	sadd.s32 s11, s6;
	s31 =	ssub.s32 s8, s12;
	s14 =	sadd.s32 s10, s6  }
0xe: {  	s6 =	smul.u32 $0x6400, s9;
	s7 =	sadd.s32 s7, s13;
	s8 =	sadd.s32 $0x137D800, s11  }
0xf: {  	s9 =	smax.u32 s31, $0x1;
	s10 =	sadd.s32 $0x132D800, s14;
	s11 =	sadd.s32 $0x132E800, s14  }
0x10: {  	s12 =	sadd.s32 $0x132E000, s14;
	s13 =	sadd.s32 $0x132F000, s14;
	s14 =	sadd.s32 $0x132F800, s14  }
.LBB2_1:
0x11: {  	[tilespmem:s15], [sflag:$0x2] =	stream.linear.gather [hbm4b:s7+s2], $0xA00, $0x38;
	[tilespmem:$0x12840] =	vst v63  }
0x12: {  	_ =	swait.ge [sflag:s16], $0xA00  }
0x13: {  	[sflag:s16] =	ssyncset.done $0x0  }
0x14: {  	[sflag:s16] =	ssyncadd.s32 $0xFFFFF600  }
0x15: {  	[tilespmem:s18], [sflag:$0x1] =	stream.indirect.gather [hbm4b:s4+s17], $0x20, s15, s17, $0xb8;
	[tilespmem:$0x12840] =	vst v63  }
0x16: {  	_ =	swait.ge [sflag:s19], $0x4000  }
0x17: {  	[sflag:s19] =	ssyncset.done $0x0  }
0x18: {  	[sflag:s19] =	ssyncadd.s32 $0xFFFFC000  }
0x19: {  	[hbm4b:s10+s2] =	stream.linear.scatter [tilespmem:s18], [sflag:$0x2], $0x4000, $0x38;
	[tilespmem:$0x12840] =	vst v63  }
0x1a: {  	_ =	swait.ge [sflag:s16], $0x4000  }
0x1b: {  	[sflag:s16] =	ssyncset.done $0x0  }
0x1c: {  	[sflag:s16] =	ssyncadd.s32 $0xFFFFC000  }
0x1d: {  	[tilespmem:s18], [sflag:$0x1] =	stream.indirect.gather [hbm4b:s4+s17], $0x20, s20, s17, $0xb8;
	[tilespmem:$0x12840] =	vst v63  }
0x1e: {  	_ =	swait.ge [sflag:s19], $0x4000  }
0x1f: {  	[sflag:s19] =	ssyncset.done $0x0  }
0x20: {  	[sflag:s19] =	ssyncadd.s32 $0xFFFFC000  }
0x21: {  	[hbm4b:s12+s2] =	stream.linear.scatter [tilespmem:s18], [sflag:$0x2], $0x4000, $0x38;
	[tilespmem:$0x12840] =	vst v63  }
0x22: {  	_ =	swait.ge [sflag:s16], $0x4000  }
0x23: {  	[sflag:s16] =	ssyncset.done $0x0  }
0x24: {  	[sflag:s16] =	ssyncadd.s32 $0xFFFFC000  }
0x25: {  	[tilespmem:s18], [sflag:$0x1] =	stream.indirect.gather [hbm4b:s4+s17], $0x20, s21, s17, $0xb8;
	[tilespmem:$0x12840] =	vst v63  }
0x26: {  	_ =	swait.ge [sflag:s19], $0x4000  }
0x27: {  	[sflag:s19] =	ssyncset.done $0x0  }
0x28: {  	[sflag:s19] =	ssyncadd.s32 $0xFFFFC000  }
0x29: {  	[hbm4b:s11+s2] =	stream.linear.scatter [tilespmem:s18], [sflag:$0x2], $0x4000, $0x38;
	[tilespmem:$0x12840] =	vst v63  }
0x2a: {  	_ =	swait.ge [sflag:s16], $0x4000  }
0x2b: {  	[sflag:s16] =	ssyncset.done $0x0  }
0x2c: {  	[sflag:s16] =	ssyncadd.s32 $0xFFFFC000  }
0x2d: {  	[tilespmem:s18], [sflag:$0x1] =	stream.indirect.gather [hbm4b:s4+s17], $0x20, s22, s17, $0xb8;
	[tilespmem:$0x12840] =	vst v63  }
0x2e: {  	_ =	swait.ge [sflag:s19], $0x4000  }
0x2f: {  	[sflag:s19] =	ssyncset.done $0x0  }
0x30: {  	[sflag:s19] =	ssyncadd.s32 $0xFFFFC000  }
0x31: {  	[hbm4b:s13+s2] =	stream.linear.scatter [tilespmem:s18], [sflag:$0x2], $0x4000, $0x38;
	[tilespmem:$0x12840] =	vst v63  }
0x32: {  	_ =	swait.ge [sflag:s16], $0x4000  }
0x33: {  	[sflag:s16] =	ssyncset.done $0x0  }
0x34: {  	[sflag:s16] =	ssyncadd.s32 $0xFFFFC000  }
0x35: {  	[tilespmem:s18], [sflag:$0x1] =	stream.indirect.gather [hbm4b:s4+s17], $0x20, s23, s17, $0xb8;
	[tilespmem:$0x12840] =	vst v63  }
0x36: {  	_ =	swait.ge [sflag:s19], $0x4000  }
0x37: {  	[sflag:s19] =	ssyncset.done $0x0  }
0x38: {  	[sflag:s19] =	ssyncadd.s32 $0xFFFFC000  }
0x39: {  	[hbm4b:s14+s2] =	stream.linear.scatter [tilespmem:s18], [sflag:$0x2], $0x4000, $0x38;
	[tilespmem:$0x12840] =	vst v63  }
0x3a: {  	_ =	swait.ge [sflag:s16], $0x4000  }
0x3b: {  	[sflag:s16] =	ssyncset.done $0x0  }
0x3c: {  	s28 =	simm.s32 $0x0;
	[sflag:s16] =	ssyncadd.s32 $0xFFFFC000  }
.LBB2_2:
0x3d: {  	s29 =	smul.u32 $0x640, s28;
	_ =	sdelay $0x1  }
0x3e: {  	s29 =	sadd.s32 s6, s29  }
0x3f: {  	s29 =	sshrl.u32 s29, $0x3  }
0x40: {  	s30 =	simm.s32 $0x0;
	s29 =	sadd.s32 s3, s29  }
0x41: {  	[tilespmem:s30], [sflag:$0x2] =	stream.linear.gather [hbm4b:s29+s30], $0x640, $0x38;
	[tilespmem:$0x12840] =	vst v63  }
0x42: {  	_ =	swait.ge [sflag:s16], $0x640  }
0x43: {  	[sflag:s16] =	ssyncset.done $0x0  }
0x44: {  	[sflag:s16] =	ssyncadd.s32 $0xFFFFF9C0  }
0x45: {  	[tilespmem:s24], [sflag:$0x1] =	stream.indirect.gather [hbm4b:s5+s24], $0x20, s30, s24, $0xb8;
	[tilespmem:$0x12840] =	vst v63  }
0x46: {  	_ =	swait.ge [sflag:s19], $0xC800  }
0x47: {  	[sflag:s19] =	ssyncset.done $0x0  }
0x48: {  	s31 =	simm.s32 $0x0;
	[sflag:s19] =	ssyncadd.s32 $0xFFFF3800  }
0x49: {  	v1 =	vld [tilespmem:s31+$0x650]  }
0x4a: {  	v0 =	vimm.f32 $0.0e+00;
	v2 =	vimm.f32 $0.0e+00;
	s29 =	simm.s32 $0x80;
	v3 =	vld [tilespmem:s31+$0x640]  }
.LBB2_3:
0x4b: {  	p0 =	sne.s32 s29, $0x6380  }
.Ltmp0:
0x4c: {  	_ = 	snop;
	(pc) =	sbr.rel @p0 .LBB2_3-.Ltmp0, $4  }
0x4d: {  	_ = 	snop  }
0x4e: {  	s30 =	sshra.s32 s29, $0x2;
	s29 =	sadd.s32 $0x80, s29;
	v0 =	vadd.f32 v1, v0  }
0x4f: {  	v1 =	vld [tilespmem:s30+$0x650];
	v2 =	vadd.f32 v3, v2  }
0x50: {  	v3 =	vld [tilespmem:s30+$0x640]  }
0x51: {  	_ =	sdelay $0x2  }
0x52: {  	s29 =	sshll.u32 s28, $0x8;
	v0 =	vadd.f32 v1, v0  }
0x53: {  	s29 =	sand.u32 $0x3FFFFF00, s29;
	v2 =	vadd.f32 v3, v2  }
0x54: {  	[tilespmem:s29+$0xCE50] =	vst v0  }
0x55: {  	s31 =	simm.s32 $0x0;
	[tilespmem:s29+$0xCE40] =	vst v2  }
0x56: {  	v1 =	vld [tilespmem:s31+$0x1F50]  }
0x57: {  	s30 =	simm.s32 $0x80;
	v0 =	vimm.f32 $0.0e+00;
	v2 =	vimm.f32 $0.0e+00;
	v3 =	vld [tilespmem:s31+$0x1F40]  }
.LBB2_5:
0x58: {  	p0 =	sne.s32 s30, $0x6380  }
.Ltmp1:
0x59: {  	_ = 	snop;
	(pc) =	sbr.rel @p0 .LBB2_5-.Ltmp1, $4  }
0x5a: {  	_ = 	snop  }
0x5b: {  	s31 =	sshra.s32 s30, $0x2;
	s30 =	sadd.s32 $0x80, s30;
	v0 =	vadd.f32 v1, v0  }
0x5c: {  	v1 =	vld [tilespmem:s31+$0x1F50];
	v2 =	vadd.f32 v3, v2  }
0x5d: {  	v3 =	vld [tilespmem:s31+$0x1F40]  }
0x5e: {  	_ =	sdelay $0x2  }
0x5f: {  	v0 =	vadd.f32 v1, v0  }
0x60: {  	v2 =	vadd.f32 v3, v2  }
0x61: {  	[tilespmem:s29+$0xCE70] =	vst v0  }
0x62: {  	s31 =	simm.s32 $0x0;
	[tilespmem:s29+$0xCE60] =	vst v2  }
0x63: {  	v1 =	vld [tilespmem:s31+$0x3850]  }
0x64: {  	s30 =	simm.s32 $0x80;
	v0 =	vimm.f32 $0.0e+00;
	v2 =	vimm.f32 $0.0e+00;
	v3 =	vld [tilespmem:s31+$0x3840]  }
.LBB2_7:
0x65: {  	p0 =	sne.s32 s30, $0x6380  }
.Ltmp2:
0x66: {  	_ = 	snop;
	(pc) =	sbr.rel @p0 .LBB2_7-.Ltmp2, $4  }
0x67: {  	_ = 	snop  }
0x68: {  	s31 =	sshra.s32 s30, $0x2;
	s30 =	sadd.s32 $0x80, s30;
	v0 =	vadd.f32 v1, v0  }
0x69: {  	v1 =	vld [tilespmem:s31+$0x3850];
	v2 =	vadd.f32 v3, v2  }
0x6a: {  	v3 =	vld [tilespmem:s31+$0x3840]  }
0x6b: {  	_ =	sdelay $0x2  }
0x6c: {  	v0 =	vadd.f32 v1, v0  }
0x6d: {  	v2 =	vadd.f32 v3, v2  }
0x6e: {  	[tilespmem:s29+$0xCE90] =	vst v0  }
0x6f: {  	s31 =	simm.s32 $0x0;
	[tilespmem:s29+$0xCE80] =	vst v2  }
0x70: {  	v1 =	vld [tilespmem:s31+$0x5150]  }
0x71: {  	s30 =	simm.s32 $0x80;
	v0 =	vimm.f32 $0.0e+00;
	v2 =	vimm.f32 $0.0e+00;
	v3 =	vld [tilespmem:s31+$0x5140]  }
.LBB2_9:
0x72: {  	p0 =	sne.s32 s30, $0x6380  }
.Ltmp3:
0x73: {  	_ = 	snop;
	(pc) =	sbr.rel @p0 .LBB2_9-.Ltmp3, $4  }
0x74: {  	_ = 	snop  }
0x75: {  	s31 =	sshra.s32 s30, $0x2;
	s30 =	sadd.s32 $0x80, s30;
	v0 =	vadd.f32 v1, v0  }
0x76: {  	v1 =	vld [tilespmem:s31+$0x5150];
	v2 =	vadd.f32 v3, v2  }
0x77: {  	v3 =	vld [tilespmem:s31+$0x5140]  }
0x78: {  	_ =	sdelay $0x2  }
0x79: {  	v0 =	vadd.f32 v1, v0  }
0x7a: {  	v2 =	vadd.f32 v3, v2  }
0x7b: {  	[tilespmem:s29+$0xCEB0] =	vst v0  }
0x7c: {  	s31 =	simm.s32 $0x0;
	[tilespmem:s29+$0xCEA0] =	vst v2  }
0x7d: {  	v1 =	vld [tilespmem:s31+$0x6A50]  }
0x7e: {  	s30 =	simm.s32 $0x80;
	v0 =	vimm.f32 $0.0e+00;
	v2 =	vimm.f32 $0.0e+00;
	v3 =	vld [tilespmem:s31+$0x6A40]  }
.LBB2_11:
0x7f: {  	p0 =	sne.s32 s30, $0x6380  }
.Ltmp4:
0x80: {  	_ = 	snop;
	(pc) =	sbr.rel @p0 .LBB2_11-.Ltmp4, $4  }
0x81: {  	_ = 	snop  }
0x82: {  	s31 =	sshra.s32 s30, $0x2;
	s30 =	sadd.s32 $0x80, s30;
	v0 =	vadd.f32 v1, v0  }
0x83: {  	v1 =	vld [tilespmem:s31+$0x6A50];
	v2 =	vadd.f32 v3, v2  }
0x84: {  	v3 =	vld [tilespmem:s31+$0x6A40]  }
0x85: {  	_ =	sdelay $0x2  }
0x86: {  	v0 =	vadd.f32 v1, v0  }
0x87: {  	v2 =	vadd.f32 v3, v2  }
0x88: {  	[tilespmem:s29+$0xCED0] =	vst v0  }
0x89: {  	s31 =	simm.s32 $0x0;
	[tilespmem:s29+$0xCEC0] =	vst v2  }
0x8a: {  	v1 =	vld [tilespmem:s31+$0x8350]  }
0x8b: {  	s30 =	simm.s32 $0x80;
	v0 =	vimm.f32 $0.0e+00;
	v2 =	vimm.f32 $0.0e+00;
	v3 =	vld [tilespmem:s31+$0x8340]  }
.LBB2_13:
0x8c: {  	p0 =	sne.s32 s30, $0x6380  }
.Ltmp5:
0x8d: {  	_ = 	snop;
	(pc) =	sbr.rel @p0 .LBB2_13-.Ltmp5, $4  }
0x8e: {  	_ = 	snop  }
0x8f: {  	s31 =	sshra.s32 s30, $0x2;
	s30 =	sadd.s32 $0x80, s30;
	v0 =	vadd.f32 v1, v0  }
0x90: {  	v1 =	vld [tilespmem:s31+$0x8350];
	v2 =	vadd.f32 v3, v2  }
0x91: {  	v3 =	vld [tilespmem:s31+$0x8340]  }
0x92: {  	_ =	sdelay $0x2  }
0x93: {  	v0 =	vadd.f32 v1, v0  }
0x94: {  	v2 =	vadd.f32 v3, v2  }
0x95: {  	[tilespmem:s29+$0xCEF0] =	vst v0  }
0x96: {  	s31 =	simm.s32 $0x0;
	[tilespmem:s29+$0xCEE0] =	vst v2  }
0x97: {  	v1 =	vld [tilespmem:s31+$0x9C50]  }
0x98: {  	s30 =	simm.s32 $0x80;
	v0 =	vimm.f32 $0.0e+00;
	v2 =	vimm.f32 $0.0e+00;
	v3 =	vld [tilespmem:s31+$0x9C40]  }
.LBB2_15:
0x99: {  	p0 =	sne.s32 s30, $0x6380  }
.Ltmp6:
0x9a: {  	_ = 	snop;
	(pc) =	sbr.rel @p0 .LBB2_15-.Ltmp6, $4  }
0x9b: {  	_ = 	snop  }
0x9c: {  	s31 =	sshra.s32 s30, $0x2;
	s30 =	sadd.s32 $0x80, s30;
	v0 =	vadd.f32 v1, v0  }
0x9d: {  	v1 =	vld [tilespmem:s31+$0x9C50];
	v2 =	vadd.f32 v3, v2  }
0x9e: {  	v3 =	vld [tilespmem:s31+$0x9C40]  }
0x9f: {  	_ =	sdelay $0x2  }
0xa0: {  	v0 =	vadd.f32 v1, v0  }
0xa1: {  	v2 =	vadd.f32 v3, v2  }
0xa2: {  	[tilespmem:s29+$0xCF10] =	vst v0  }
0xa3: {  	s31 =	simm.s32 $0x0;
	[tilespmem:s29+$0xCF00] =	vst v2  }
0xa4: {  	v1 =	vld [tilespmem:s31+$0xB550]  }
0xa5: {  	s30 =	simm.s32 $0x80;
	v0 =	vimm.f32 $0.0e+00;
	v2 =	vimm.f32 $0.0e+00;
	v3 =	vld [tilespmem:s31+$0xB540]  }
.LBB2_17:
0xa6: {  	p0 =	sne.s32 s30, $0x6380  }
.Ltmp7:
0xa7: {  	_ = 	snop;
	(pc) =	sbr.rel @p0 .LBB2_17-.Ltmp7, $4  }
0xa8: {  	_ = 	snop  }
0xa9: {  	s31 =	sshra.s32 s30, $0x2;
	s30 =	sadd.s32 $0x80, s30;
	v0 =	vadd.f32 v1, v0  }
0xaa: {  	v1 =	vld [tilespmem:s31+$0xB550];
	v2 =	vadd.f32 v3, v2  }
0xab: {  	v3 =	vld [tilespmem:s31+$0xB540]  }
0xac: {  	s28 =	sadd.s32 $0x1, s28  }
0xad: {  	p0 =	sne.s32 s28, $0x10  }
.Ltmp8:
0xae: {  	_ = 	snop;
	(pc) =	sbr.rel @p0 .LBB2_2-.Ltmp8, $4  }
0xaf: {  	v0 =	vadd.f32 v1, v0  }
0xb0: {  	v2 =	vadd.f32 v3, v2  }
0xb1: {  	[tilespmem:s29+$0xCF30] =	vst v0  }
0xb2: {  	[tilespmem:s29+$0xCF20] =	vst v2  }
0xb3: {  	s26 =	sadd.s32 $0x1, s26  }
0xb4: {  	p0 =	sne.s32 s26, s9  }
.Ltmp9:
0xb5: {  	_ = 	snop;
	(pc) =	sbr.rel @p0 .LBB2_1-.Ltmp9, $4  }
0xb6: {  	[hbm4b:s8+s2] =	stream.linear.scatter [tilespmem:s25], [sflag:$0x2], $0x1000, $0x38;
	[tilespmem:$0x12840] =	vst v63  }
0xb7: {  	_ =	swait.ge [sflag:s16], $0x1000  }
0xb8: {  	[sflag:s16] =	ssyncset.done $0x0  }
0xb9: {  	[sflag:s16] =	ssyncadd.s32 $0xFFFFF000  }
0xba: {  	_ =	sfence.sel $0x180000  }
0xbb: {  	[bflag:$0x0] =	sbarrier.arrive $0xFFFF  }
0xbc: {  	p0 =	sne.s32 s1, $0x0;
	_ =	strace $0x90000047  }
0xbd: {  	s0 =	sadd.s32 @!p0 $0x100000, s0;
	[bflag:$0x2] =	sbarrier.arrive $0xFFFF  }
0xbe: {  	[sflag:s0] =	ssyncadd.tile.s32 @!p0 $0x1;
	_ =	shalt  }
.Lfunc_end2:
_tile_overlayer_lowered:
.L_overlay_start_2:
0xbf: {  	(tag) =	ssettag $0x2  }
0xc0: {  	s0 =	rddreg [dreg:$0x0];
	s2 =	stileid.u32  }
0xc1: {  	s1 =	rddreg [dreg:$0x1];
	p0 =	sne.s32 s2, $0x0  }
0xc2: {  	s3 =	rddreg [dreg:$0x2];
	[bflag:$0x3] =	sbarrier.arrive $0xFFFF;
	s2 =	simm.s32 @!p0 $0x1C02  }
0xc3: {  	[timem:s3], [sflag:s2] =	dma.local @!p0 [hbm:s0], s1  }
0xc4: {  	s0 =	simm.s32 @!p0 $0x2  }
0xc5: {  	_ =	swait.ge @!p0 [sflag:s0], s1  }
0xc6: {  	s1 =	ssub.s32 @!p0 $0x0, s1;
	[sflag:s0] =	ssyncset.done @!p0 $0x0  }
0xc7: {  	[sflag:s0] =	ssyncadd.s32 @!p0 s1  }
0xc8: {  	[bflag:$0x3] =	sbarrier.arrive $0xFFFF  }
0xc9: {  	_ =	shalt  }

</sc_bundles>
